<compile_context>
chip_gen: v7x
topology: tpu7x:2x2x1
jax: 0.10.2.dev20260603
libtpu: 0.0.44.dev20260713+nightly
codegen_flags: <defaults>
</compile_context>

<pallas_src>
import jax
import jax.numpy as jnp
from jax.experimental import pallas as pl
from jax.experimental.pallas import tpu as pltpu

_N = 64
_DIN = 128
_DH = 256
_PB = 128
_TRI = _N * (_N + 1) // 2
_G = (_TRI + _PB - 1) // _PB


def _pair_kernel(z_ref, adj_ref, W1a_ref, W1b_ref, W2_ref, outA_ref, outB_ref,
                 H0_ref, S_ref, PRE_ref, W12_ref):
    step = pl.program_id(0)

    @pl.when(step == 0)
    def _prologue():
        a = adj_ref[...]
        S = jnp.maximum(a, a.T)
        S_ref[...] = S
        H0_ref[...] = jnp.dot(z_ref[...], W1a_ref[...],
                              preferred_element_type=jnp.float32)
        W12_ref[:, :_DH] = W1b_ref[...]
        W12_ref[:, _DH:] = jnp.concatenate(
            [W1b_ref[1:2], W1b_ref[0:1], W1b_ref[2:]], axis=0)
        r = jax.lax.broadcasted_iota(jnp.int32, (_N, _N), 0)
        c = jax.lax.broadcasted_iota(jnp.int32, (_N, _N), 1)
        L = (c < r).astype(jnp.float32)
        U = (r < c).astype(jnp.float32)
        CS = jnp.dot(L, S, preferred_element_type=jnp.float32)
        RS = jnp.dot(S, U, preferred_element_type=jnp.float32)
        Sd = jnp.sum(S * (r == c).astype(jnp.float32), axis=0)
        PRE_ref[:, :_N] = CS - Sd[None, :]
        PRE_ref[:, _N:] = RS

    S = S_ref[...]
    W2v = W2_ref[...].reshape(1, 1, _DH)

    p3 = step * _PB + jax.lax.broadcasted_iota(jnp.int32, (_PB, 1, 1), 0)
    c2 = jax.lax.broadcasted_iota(jnp.int32, (_PB, _N), 1)
    p2 = p3[:, :, 0]
    u2 = jnp.sum((p2 >= (c2 * (c2 + 1)) // 2).astype(jnp.int32),
                 axis=1, keepdims=True) - 1
    l2 = p2 - (u2 * (u2 + 1)) // 2
    u3 = u2[:, :, None]
    l3 = l2[:, :, None]
    cu = c2 < u2
    ohu = (c2 == u2).astype(jnp.float32)
    ohl = (c2 == l2).astype(jnp.float32)
    cu_f = cu.astype(jnp.float32)
    cl_f = (c2 < l2).astype(jnp.float32)

    OH2 = jnp.concatenate([ohu, ohl], axis=0)
    SR = jnp.dot(OH2, S, preferred_element_type=jnp.float32)
    Su, Sl = SR[:_PB], SR[_PB:]
    Gp = jnp.dot(ohu, PRE_ref[...], preferred_element_type=jnp.float32)
    CSu, RSu = Gp[:, :_N], Gp[:, _N:]

    RSul = jnp.sum(RSu * ohl, axis=1, keepdims=True)
    deg = 1.0 + jnp.where(cu, CSu + Su * cl_f, ohu * RSul)
    Dn = jax.lax.rsqrt(jnp.maximum(deg, 1.0))

    Pu = jnp.where(ohu > 0, 1.0, Su * cl_f)
    Pl = jnp.where(ohl > 0, 1.0, Sl * jnp.where(l2 < u2, cu_f, cl_f))
    Dnu = jnp.sum(ohu * Dn, axis=1, keepdims=True)
    Dnl = jnp.sum(ohl * Dn, axis=1, keepdims=True)
    cu_col = Dnu * Pu
    cl_col = Dnl * Pl
    t = Dn * (Dnu * Pu + Dnl * Pl)

    r3 = jax.lax.broadcasted_iota(jnp.int32, (_PB, _N, 1), 1)
    ru = (r3 < u3).astype(jnp.float32)
    re = (r3 == u3).astype(jnp.float32)
    rl = (r3 < l3).astype(jnp.float32)
    cuD = (cu_f * Dn)[:, None, :]
    clD = (cl_f * Dn)[:, None, :]
    ceD = (ohu * Dn)[:, None, :]
    rr = jax.lax.broadcasted_iota(jnp.int32, (_N, _N), 0)
    cc = jax.lax.broadcasted_iota(jnp.int32, (_N, _N), 1)
    C = jnp.where((rr == cc)[None, :, :],
                  Dn[:, None, :],
                  S[None, :, :] * (ru * cuD + re * clD + rl * ceD))

    le = jax.lax.broadcasted_iota(jnp.int32, (_PB, _N, 8), 2)
    E = (jnp.where(le == 0, cu_col[:, :, None], 0.0)
         + jnp.where(le == 1, cl_col[:, :, None], 0.0))
    Ef = E.reshape(_PB * _N, 8)
    G = jnp.dot(C.reshape(_PB * _N, _N), H0_ref[...],
                preferred_element_type=jnp.float32)
    C12 = jnp.dot(Ef, W12_ref[...], preferred_element_type=jnp.float32)
    C1, C2 = C12[:, :_DH], C12[:, _DH:]
    M1 = (G + C1).reshape(_PB, _N, _DH)
    M2 = (G + C2).reshape(_PB, _N, _DH)
    v1 = Dn * jnp.sum(jnp.maximum(M1, 0.0) * W2v, axis=2)
    v2 = Dn * jnp.sum(jnp.maximum(M2, 0.0) * W2v, axis=2)

    outA_ref[0, 0, :] = jnp.sum(t * v1, axis=1)
    outB_ref[0, 0, :] = jnp.sum(t * v2, axis=1)


def kernel(inputs, adj, W1, W2):
    W1a = W1[:_DIN]
    W1b = jnp.pad(W1[_DIN:], ((0, 6), (0, 0)))
    W2r = W2.reshape(1, _DH)
    outA, outB = pl.pallas_call(
        _pair_kernel,
        grid=(_G,),
        in_specs=[
            pl.BlockSpec((_N, _DIN), lambda s: (0, 0)),
            pl.BlockSpec((_N, _N), lambda s: (0, 0)),
            pl.BlockSpec((_DIN, _DH), lambda s: (0, 0)),
            pl.BlockSpec((8, _DH), lambda s: (0, 0)),
            pl.BlockSpec((1, _DH), lambda s: (0, 0)),
        ],
        out_specs=[pl.BlockSpec((1, 1, _PB), lambda s: (s, 0, 0)),
                   pl.BlockSpec((1, 1, _PB), lambda s: (s, 0, 0))],
        out_shape=[jax.ShapeDtypeStruct((_G, 1, _PB), jnp.float32),
                   jax.ShapeDtypeStruct((_G, 1, _PB), jnp.float32)],
        scratch_shapes=[pltpu.VMEM((_N, _DH), jnp.float32),
                        pltpu.VMEM((_N, _N), jnp.float32),
                        pltpu.VMEM((_N, 2 * _N), jnp.float32),
                        pltpu.VMEM((8, 2 * _DH), jnp.float32)],
        compiler_params=pltpu.CompilerParams(dimension_semantics=("arbitrary",)),
    )(inputs, adj, W1a, W1b, W2r)
    um = jnp.arange(_N)[:, None]
    lm = jnp.arange(_N)[None, :]
    tri = um * (um + 1) // 2 + lm
    A_sq = outA.reshape(-1)[tri]
    B_sq = outB.reshape(-1)[tri]
    return jnp.where(um >= lm, A_sq, B_sq.T).reshape(-1)

# --- scband reference (transcript-rebuilt; emitter-appended) ---
"""Pipeline reference for scband-autoregressive-edge-decoder-48619029791018 (READ-ONLY COPY).

The authoritative reference and input builder live on the scoring server;
editing this copy changes nothing except your own understanding.
"""

import jax, jax.numpy as jnp
import numpy as np

N = 64
D_IN = 128
D_HID = 256


def setup_inputs(seed: int = 0) -> dict:
    key = jax.random.key(seed)
    k1, k2, k3, k4 = jax.random.split(key, 4)
    inputs = jax.random.normal(k1, (N, D_IN), dtype=jnp.float32)
    # binary adjacency (dense representation of the SparseTensor adj)
    adj = jax.random.randint(k2, (N, N), 0, 2).astype(jnp.float32)
    # glorot-uniform weights, per weight_variable_glorot
    lim1 = np.sqrt(6.0 / ((D_IN + 2) + D_HID))
    W1 = jax.random.uniform(k3, (D_IN + 2, D_HID), minval=-lim1, maxval=lim1, dtype=jnp.float32)
    lim2 = np.sqrt(6.0 / (D_HID + 1))
    W2 = jax.random.uniform(k4, (D_HID, 1), minval=-lim2, maxval=lim2, dtype=jnp.float32)
    return {"inputs": inputs, "adj": adj, "W1": W1, "W2": W2}


def _sparse_convolution(partial_adj, deg_vec, h):
    # deg is a diagonal matrix -> elementwise row scaling
    out = deg_vec[:, None] * h
    out = partial_adj @ out
    out = deg_vec[:, None] * out
    return out


def reference(inputs, adj, W1, W2):
    num_nodes = inputs.shape[0]
    z = inputs  # dropout=0.0 -> identity
    idx = jnp.arange(num_nodes)
    # tf.meshgrid(indices, indices) default 'xy' indexing, then stack(B, A)
    A_m, B_m = jnp.meshgrid(idx, idx)
    pairs = jnp.stack((B_m.reshape(-1), A_m.reshape(-1)), axis=1)  # [N*N, 2]
    eye = jnp.eye(num_nodes, dtype=jnp.float32)
    r = jnp.arange(num_nodes)

    def z_update(row):
        upper = jnp.maximum(row[0], row[1])
        lower = jnp.minimum(row[0], row[1])
        # A = sparse_slice(adj,[0,0],[upper,upper]); B = slice [upper,0],[1,lower]; C = slice [0,upper],[lower,1]
        maskA = (r[:, None] < upper) & (r[None, :] < upper)
        maskB = (r[:, None] == upper) & (r[None, :] < lower)
        maskC = (r[:, None] < lower) & (r[None, :] == upper)
        partial = adj * (maskA | maskB | maskC).astype(adj.dtype)
        partial = jnp.maximum(partial, partial.T)   # sparse_maximum with transpose
        partial = jnp.maximum(partial, eye)         # sparse_maximum with identity
        deg = jnp.sum(partial, axis=0)              # sparse_reduce_sum over axis 0
        deg = jnp.power(jnp.maximum(deg, 1.0), -0.5)
        hf_r = (r == row[0]).astype(jnp.float32)[:, None]  # one_hot(row[0]) as column
        hf_c = (r == row[1]).astype(jnp.float32)[:, None]
        z_prime = jnp.concatenate((z, hf_r, hf_c), axis=1)
        hidden = z_prime @ W1
        hidden = jax.nn.relu(_sparse_convolution(partial, deg, hidden))
        hidden = hidden @ W2
        hidden = jnp.squeeze(_sparse_convolution(partial, deg, hidden))
        return hidden[row[0]] + hidden[row[1]]

    # tf.map_fn over all N^2 index pairs (FLAGS.parallel path)
    supplement = jax.lax.map(z_update, pairs)
    return supplement

if __name__ == "__main__":
    import jax
    _d = setup_inputs()
    print(jax.jit(kernel)(*tuple(_d.values())))

</pallas_src>

<mosaic_0001>
module attributes {stable_mosaic.version = 14 : i64} {
  func.func @_pair_kernel(%arg0: i32, %arg1: memref<64x128xf32, #tpu.memory_space<vmem>>, %arg2: memref<64x64xf32, #tpu.memory_space<vmem>>, %arg3: memref<128x256xf32, #tpu.memory_space<vmem>>, %arg4: memref<8x256xf32, #tpu.memory_space<vmem>>, %arg5: memref<1x256xf32, #tpu.memory_space<vmem>>, %arg6: memref<1x1x128xf32, #tpu.memory_space<vmem>>, %arg7: memref<1x1x128xf32, #tpu.memory_space<vmem>>, %arg8: memref<64x256xf32, #tpu.memory_space<vmem>>, %arg9: memref<64x64xf32, #tpu.memory_space<vmem>>, %arg10: memref<64x128xf32, #tpu.memory_space<vmem>>, %arg11: memref<8x512xf32, #tpu.memory_space<vmem>>) attributes {dimension_semantics = [#tpu.dimension_semantics<arbitrary>], iteration_bounds = array<i64: 17>, scalar_prefetch = 0 : i64, scratch_operands = 4 : i64, tpu.core_type = #tpu.core_type<tc>, window_params = [{pipeline_mode = #tpu.pipeline_mode<synchronous>, transform_indices = @transform_0, window_bounds = array<i64: 64, 128>}, {pipeline_mode = #tpu.pipeline_mode<synchronous>, transform_indices = @transform_1, window_bounds = array<i64: 64, 64>}, {pipeline_mode = #tpu.pipeline_mode<synchronous>, transform_indices = @transform_2, window_bounds = array<i64: 128, 256>}, {pipeline_mode = #tpu.pipeline_mode<synchronous>, transform_indices = @transform_3, window_bounds = array<i64: 8, 256>}, {pipeline_mode = #tpu.pipeline_mode<synchronous>, transform_indices = @transform_4, window_bounds = array<i64: 1, 256>}, {transform_indices = @transform_5, window_bounds = array<i64: 1, 1, 128>}, {transform_indices = @transform_6, window_bounds = array<i64: 1, 1, 128>}]} {
    %eq3A = arith.constant 0 : i32
    %eq3A_0 = arith.cmpi eq, %arg0, %eq3A : i32
    %convert_element_type3A = arith.extui %eq3A_0 : i1 to i32
    %cond3A = arith.constant 0 : i32
    %cond3A_1 = arith.cmpi ne, %convert_element_type3A, %cond3A : i32
    scf.if %cond3A_1 {
      %get3A_268 = arith.constant 0 : index
      %get3A_269 = arith.constant 0 : index
      %get3A_270 = vector.load %arg2[%get3A_268, %get3A_269] : memref<64x64xf32, #tpu.memory_space<vmem>>, vector<64x64xf32>
      %transpose3A = tpu.transpose %get3A_270, [1, 0] : vector<64x64xf32> -> vector<64x64xf32>
      %max3A_271 = arith.maximumf %get3A_270, %transpose3A : vector<64x64xf32>
      %swap3A_272 = arith.constant 0 : index
      %swap3A_273 = arith.constant 0 : index
      %swap3A_274 = vector.load %arg9[%swap3A_272, %swap3A_273] : memref<64x64xf32, #tpu.memory_space<vmem>>, vector<64x64xf32>
      tpu.vector_store %arg9[%swap3A_272, %swap3A_273], %max3A_271 {strides = array<i32>} : memref<64x64xf32, #tpu.memory_space<vmem>>, vector<64x64xf32>,
      %get3A_275 = arith.constant 0 : index
      %get3A_276 = arith.constant 0 : index
      %get3A_277 = vector.load %arg1[%get3A_275, %get3A_276] : memref<64x128xf32, #tpu.memory_space<vmem>>, vector<64x128xf32>
      %get3A_278 = arith.constant 0 : index
      %get3A_279 = arith.constant 0 : index
      %get3A_280 = vector.load %arg3[%get3A_278, %get3A_279] : memref<128x256xf32, #tpu.memory_space<vmem>>, vector<128x256xf32>
      %dot_general3A_281 = arith.constant dense<0.000000e+00> : vector<64x256xf32>
      %dot_general3A_282 = tpu.matmul %get3A_277, %get3A_280, %dot_general3A_281 {dimension_numbers = #tpu.dot_dimension_numbers<[1], [0], [0], [1], [0, 0, 1, 1], [], []>, transpose_lhs_hint = false} : vector<64x128xf32>, vector<128x256xf32>, vector<64x256xf32> -> vector<64x256xf32>
      %swap3A_283 = arith.constant 0 : index
      %swap3A_284 = arith.constant 0 : index
      %swap3A_285 = vector.load %arg8[%swap3A_283, %swap3A_284] : memref<64x256xf32, #tpu.memory_space<vmem>>, vector<64x256xf32>
      tpu.vector_store %arg8[%swap3A_283, %swap3A_284], %dot_general3A_282 {strides = array<i32>} : memref<64x256xf32, #tpu.memory_space<vmem>>, vector<64x256xf32>,
      %get3A_286 = arith.constant 0 : index
      %get3A_287 = arith.constant 0 : index
      %get3A_288 = vector.load %arg4[%get3A_286, %get3A_287] : memref<8x256xf32, #tpu.memory_space<vmem>>, vector<8x256xf32>
      %swap3A_289 = arith.constant 0 : index
      %swap3A_290 = arith.constant 0 : index
      %swap3A_291 = vector.load %arg11[%swap3A_289, %swap3A_290] : memref<8x512xf32, #tpu.memory_space<vmem>>, vector<8x256xf32>
      tpu.vector_store %arg11[%swap3A_289, %swap3A_290], %get3A_288 {strides = array<i32>} : memref<8x512xf32, #tpu.memory_space<vmem>>, vector<8x256xf32>,
      %get3A_292 = arith.constant 1 : index
      %get3A_293 = arith.constant 0 : index
      %get3A_294 = vector.load %arg4[%get3A_292, %get3A_293] : memref<8x256xf32, #tpu.memory_space<vmem>>, vector<1x256xf32>
      %get3A_295 = arith.constant 0 : index
      %get3A_296 = arith.constant 0 : index
      %get3A_297 = vector.load %arg4[%get3A_295, %get3A_296] : memref<8x256xf32, #tpu.memory_space<vmem>>, vector<1x256xf32>
      %get3A_298 = arith.constant 2 : index
      %get3A_299 = arith.constant 0 : index
      %get3A_300 = vector.load %arg4[%get3A_298, %get3A_299] : memref<8x256xf32, #tpu.memory_space<vmem>>, vector<6x256xf32>
      %concatenate3A_301 = tpu.concatenate %get3A_294, %get3A_297, %get3A_300 in 0 : vector<1x256xf32>, vector<1x256xf32>, vector<6x256xf32> -> vector<8x256xf32>
      %swap3A_302 = arith.constant 0 : index
      %swap3A_303 = arith.constant 256 : index
      %swap3A_304 = vector.load %arg11[%swap3A_302, %swap3A_303] : memref<8x512xf32, #tpu.memory_space<vmem>>, vector<8x256xf32>
      tpu.vector_store %arg11[%swap3A_302, %swap3A_303], %concatenate3A_301 {strides = array<i32>} : memref<8x512xf32, #tpu.memory_space<vmem>>, vector<8x256xf32>,
      %iota3A_305 = tpu.iota {dimensions = array<i32: 0>} : vector<64x64xi32>
      %iota3A_306 = tpu.iota {dimensions = array<i32: 1>} : vector<64x64xi32>
      %lt3A_307 = arith.cmpi slt, %iota3A_306, %iota3A_305 : vector<64x64xi32>
      %convert_element_type3A_308 = arith.extui %lt3A_307 : vector<64x64xi1> to vector<64x64xi32>
      %convert_element_type3A_309 = arith.sitofp %convert_element_type3A_308 : vector<64x64xi32> to vector<64x64xf32>
      %lt3A_310 = arith.cmpi slt, %iota3A_305, %iota3A_306 : vector<64x64xi32>
      %convert_element_type3A_311 = arith.extui %lt3A_310 : vector<64x64xi1> to vector<64x64xi32>
      %convert_element_type3A_312 = arith.sitofp %convert_element_type3A_311 : vector<64x64xi32> to vector<64x64xf32>
      %dot_general3A_313 = arith.constant dense<0.000000e+00> : vector<64x64xf32>
      %dot_general3A_314 = tpu.matmul %convert_element_type3A_309, %max3A_271, %dot_general3A_313 {dimension_numbers = #tpu.dot_dimension_numbers<[1], [0], [0], [1], [0, 0, 1, 1], [], []>, transpose_lhs_hint = false} : vector<64x64xf32>, vector<64x64xf32>, vector<64x64xf32> -> vector<64x64xf32>
      %dot_general3A_315 = arith.constant dense<0.000000e+00> : vector<64x64xf32>
      %dot_general3A_316 = tpu.matmul %max3A_271, %convert_element_type3A_312, %dot_general3A_315 {dimension_numbers = #tpu.dot_dimension_numbers<[1], [0], [0], [1], [0, 0, 1, 1], [], []>, transpose_lhs_hint = false} : vector<64x64xf32>, vector<64x64xf32>, vector<64x64xf32> -> vector<64x64xf32>
      %eq3A_317 = arith.cmpi eq, %iota3A_305, %iota3A_306 : vector<64x64xi32>
      %convert_element_type3A_318 = arith.extui %eq3A_317 : vector<64x64xi1> to vector<64x64xi32>
      %convert_element_type3A_319 = arith.sitofp %convert_element_type3A_318 : vector<64x64xi32> to vector<64x64xf32>
      %mul3A_320 = arith.mulf %max3A_271, %convert_element_type3A_319 : vector<64x64xf32>
      %reduce_sum3A_321 = arith.constant dense<0.000000e+00> : vector<64xf32>
      %reduce_sum3A_322 = vector.multi_reduction <add>, %mul3A_320, %reduce_sum3A_321 [0] : vector<64x64xf32> to vector<64xf32>
      %broadcast_in_dim3A_323 = vector.shape_cast %reduce_sum3A_322 : vector<64xf32> to vector<1x64xf32>
      %sub3A_324 = vector.broadcast %broadcast_in_dim3A_323 : vector<1x64xf32> to vector<64x64xf32>
      %sub3A_325 = arith.subf %dot_general3A_314, %sub3A_324 : vector<64x64xf32>
      %swap3A_326 = arith.constant 0 : index
      %swap3A_327 = arith.constant 0 : index
      %swap3A_328 = vector.load %arg10[%swap3A_326, %swap3A_327] : memref<64x128xf32, #tpu.memory_space<vmem>>, vector<64x64xf32>
      tpu.vector_store %arg10[%swap3A_326, %swap3A_327], %sub3A_325 {strides = array<i32>} : memref<64x128xf32, #tpu.memory_space<vmem>>, vector<64x64xf32>,
      %swap3A_329 = arith.constant 0 : index
      %swap3A_330 = arith.constant 64 : index
      %swap3A_331 = vector.load %arg10[%swap3A_329, %swap3A_330] : memref<64x128xf32, #tpu.memory_space<vmem>>, vector<64x64xf32>
      tpu.vector_store %arg10[%swap3A_329, %swap3A_330], %dot_general3A_316 {strides = array<i32>} : memref<64x128xf32, #tpu.memory_space<vmem>>, vector<64x64xf32>,
    } else {
    }
    %get3A = arith.constant 0 : index
    %get3A_2 = arith.constant 0 : index
    %get3A_3 = vector.load %arg9[%get3A, %get3A_2] : memref<64x64xf32, #tpu.memory_space<vmem>>, vector<64x64xf32>
    %get3A_4 = arith.constant 0 : index
    %get3A_5 = arith.constant 0 : index
    %get3A_6 = vector.load %arg5[%get3A_4, %get3A_5] : memref<1x256xf32, #tpu.memory_space<vmem>>, vector<1x256xf32>
    %reshape3A = vector.shape_cast %get3A_6 : vector<1x256xf32> to vector<1x1x256xf32>
    %mul3A = arith.constant 128 : i32
    %mul3A_7 = arith.muli %arg0, %mul3A : i32
    %iota3A = tpu.iota {dimensions = array<i32: 0>} : vector<128x1x1xi32>
    %add3A = vector.broadcast %mul3A_7 : i32 to vector<128x1x1xi32>
    %add3A_8 = arith.addi %add3A, %iota3A : vector<128x1x1xi32>
    %iota3A_9 = tpu.iota {dimensions = array<i32: 1>} : vector<128x64xi32>
    %squeeze3A = vector.shape_cast %add3A_8 : vector<128x1x1xi32> to vector<128x1xi32>
    %add3A_10 = arith.constant 1 : i32
    %add3A_11 = vector.broadcast %add3A_10 : i32 to vector<128x64xi32>
    %add3A_12 = arith.addi %iota3A_9, %add3A_11 : vector<128x64xi32>
    %mul3A_13 = arith.muli %iota3A_9, %add3A_12 : vector<128x64xi32>
    %jit3A = arith.constant 2 : i32
    %div3A = vector.broadcast %jit3A : i32 to vector<128x64xi32>
    %div3A_14 = arith.divsi %mul3A_13, %div3A : vector<128x64xi32>
    %sign3A = arith.constant 0 : i32
    %sign3A_15 = vector.broadcast %sign3A : i32 to vector<128x64xi32>
    %sign3A_16 = arith.cmpi sgt, %mul3A_13, %sign3A_15 : vector<128x64xi32>
    %sign3A_17 = arith.extui %sign3A_16 : vector<128x64xi1> to vector<128x64xi32>
    %sign3A_18 = arith.constant 0 : i32
    %sign3A_19 = vector.broadcast %sign3A_18 : i32 to vector<128x64xi32>
    %sign3A_20 = arith.cmpi slt, %mul3A_13, %sign3A_19 : vector<128x64xi32>
    %sign3A_21 = arith.extui %sign3A_20 : vector<128x64xi1> to vector<128x64xi32>
    %sign3A_22 = arith.subi %sign3A_17, %sign3A_21 : vector<128x64xi32>
    %sign3A_23 = arith.constant 0 : i32
    %sign3A_24 = arith.cmpi sgt, %jit3A, %sign3A_23 : i32
    %sign3A_25 = arith.extui %sign3A_24 : i1 to i32
    %sign3A_26 = arith.constant 0 : i32
    %sign3A_27 = arith.cmpi slt, %jit3A, %sign3A_26 : i32
    %sign3A_28 = arith.extui %sign3A_27 : i1 to i32
    %sign3A_29 = arith.subi %sign3A_25, %sign3A_28 : i32
    %ne3A = vector.broadcast %sign3A_29 : i32 to vector<128x64xi32>
    %ne3A_30 = arith.cmpi ne, %sign3A_22, %ne3A : vector<128x64xi32>
    %rem3A = vector.broadcast %jit3A : i32 to vector<128x64xi32>
    %rem3A_31 = arith.remsi %mul3A_13, %rem3A : vector<128x64xi32>
    %ne3A_32 = arith.constant 0 : i32
    %ne3A_33 = vector.broadcast %ne3A_32 : i32 to vector<128x64xi32>
    %ne3A_34 = arith.cmpi ne, %rem3A_31, %ne3A_33 : vector<128x64xi32>
    %and3A = arith.andi %ne3A_30, %ne3A_34 : vector<128x64xi1>
    %sub3A = arith.constant 1 : i32
    %sub3A_35 = vector.broadcast %sub3A : i32 to vector<128x64xi32>
    %sub3A_36 = arith.subi %div3A_14, %sub3A_35 : vector<128x64xi32>
    %select_n3A = arith.select %and3A, %sub3A_36, %div3A_14 : vector<128x64xi1>, vector<128x64xi32>
    %ge3A = vector.broadcast %squeeze3A : vector<128x1xi32> to vector<128x64xi32>
    %ge3A_37 = arith.cmpi sge, %ge3A, %select_n3A : vector<128x64xi32>
    %convert_element_type3A_38 = arith.extui %ge3A_37 : vector<128x64xi1> to vector<128x64xi32>
    %reduce_sum3A = arith.constant dense<0> : vector<128xi32>
    %reduce_sum3A_39 = vector.multi_reduction <add>, %convert_element_type3A_38, %reduce_sum3A [1] : vector<128x64xi32> to vector<128xi32>
    %broadcast_in_dim3A = vector.shape_cast %reduce_sum3A_39 : vector<128xi32> to vector<128x1xi32>
    %sub3A_40 = arith.constant 1 : i32
    %sub3A_41 = vector.broadcast %sub3A_40 : i32 to vector<128x1xi32>
    %sub3A_42 = arith.subi %broadcast_in_dim3A, %sub3A_41 : vector<128x1xi32>
    %add3A_43 = arith.constant 1 : i32
    %add3A_44 = vector.broadcast %add3A_43 : i32 to vector<128x1xi32>
    %add3A_45 = arith.addi %sub3A_42, %add3A_44 : vector<128x1xi32>
    %mul3A_46 = arith.muli %sub3A_42, %add3A_45 : vector<128x1xi32>
    %jit3A_47 = arith.constant 2 : i32
    %div3A_48 = vector.broadcast %jit3A_47 : i32 to vector<128x1xi32>
    %div3A_49 = arith.divsi %mul3A_46, %div3A_48 : vector<128x1xi32>
    %sign3A_50 = arith.constant 0 : i32
    %sign3A_51 = vector.broadcast %sign3A_50 : i32 to vector<128x1xi32>
    %sign3A_52 = arith.cmpi sgt, %mul3A_46, %sign3A_51 : vector<128x1xi32>
    %sign3A_53 = arith.extui %sign3A_52 : vector<128x1xi1> to vector<128x1xi32>
    %sign3A_54 = arith.constant 0 : i32
    %sign3A_55 = vector.broadcast %sign3A_54 : i32 to vector<128x1xi32>
    %sign3A_56 = arith.cmpi slt, %mul3A_46, %sign3A_55 : vector<128x1xi32>
    %sign3A_57 = arith.extui %sign3A_56 : vector<128x1xi1> to vector<128x1xi32>
    %sign3A_58 = arith.subi %sign3A_53, %sign3A_57 : vector<128x1xi32>
    %sign3A_59 = arith.constant 0 : i32
    %sign3A_60 = arith.cmpi sgt, %jit3A_47, %sign3A_59 : i32
    %sign3A_61 = arith.extui %sign3A_60 : i1 to i32
    %sign3A_62 = arith.constant 0 : i32
    %sign3A_63 = arith.cmpi slt, %jit3A_47, %sign3A_62 : i32
    %sign3A_64 = arith.extui %sign3A_63 : i1 to i32
    %sign3A_65 = arith.subi %sign3A_61, %sign3A_64 : i32
    %ne3A_66 = vector.broadcast %sign3A_65 : i32 to vector<128x1xi32>
    %ne3A_67 = arith.cmpi ne, %sign3A_58, %ne3A_66 : vector<128x1xi32>
    %rem3A_68 = vector.broadcast %jit3A_47 : i32 to vector<128x1xi32>
    %rem3A_69 = arith.remsi %mul3A_46, %rem3A_68 : vector<128x1xi32>
    %ne3A_70 = arith.constant 0 : i32
    %ne3A_71 = vector.broadcast %ne3A_70 : i32 to vector<128x1xi32>
    %ne3A_72 = arith.cmpi ne, %rem3A_69, %ne3A_71 : vector<128x1xi32>
    %and3A_73 = arith.andi %ne3A_67, %ne3A_72 : vector<128x1xi1>
    %sub3A_74 = arith.constant 1 : i32
    %sub3A_75 = vector.broadcast %sub3A_74 : i32 to vector<128x1xi32>
    %sub3A_76 = arith.subi %div3A_49, %sub3A_75 : vector<128x1xi32>
    %select_n3A_77 = arith.select %and3A_73, %sub3A_76, %div3A_49 : vector<128x1xi1>, vector<128x1xi32>
    %sub3A_78 = arith.subi %squeeze3A, %select_n3A_77 : vector<128x1xi32>
    %broadcast_in_dim3A_79 = vector.shape_cast %sub3A_42 : vector<128x1xi32> to vector<128x1x1xi32>
    %broadcast_in_dim3A_80 = vector.shape_cast %sub3A_78 : vector<128x1xi32> to vector<128x1x1xi32>
    %lt3A = vector.broadcast %sub3A_42 : vector<128x1xi32> to vector<128x64xi32>
    %lt3A_81 = arith.cmpi slt, %iota3A_9, %lt3A : vector<128x64xi32>
    %eq3A_82 = vector.broadcast %sub3A_42 : vector<128x1xi32> to vector<128x64xi32>
    %eq3A_83 = arith.cmpi eq, %iota3A_9, %eq3A_82 : vector<128x64xi32>
    %convert_element_type3A_84 = arith.extui %eq3A_83 : vector<128x64xi1> to vector<128x64xi32>
    %convert_element_type3A_85 = arith.sitofp %convert_element_type3A_84 : vector<128x64xi32> to vector<128x64xf32>
    %eq3A_86 = vector.broadcast %sub3A_78 : vector<128x1xi32> to vector<128x64xi32>
    %eq3A_87 = arith.cmpi eq, %iota3A_9, %eq3A_86 : vector<128x64xi32>
    %convert_element_type3A_88 = arith.extui %eq3A_87 : vector<128x64xi1> to vector<128x64xi32>
    %convert_element_type3A_89 = arith.sitofp %convert_element_type3A_88 : vector<128x64xi32> to vector<128x64xf32>
    %convert_element_type3A_90 = arith.extui %lt3A_81 : vector<128x64xi1> to vector<128x64xi32>
    %convert_element_type3A_91 = arith.sitofp %convert_element_type3A_90 : vector<128x64xi32> to vector<128x64xf32>
    %lt3A_92 = vector.broadcast %sub3A_78 : vector<128x1xi32> to vector<128x64xi32>
    %lt3A_93 = arith.cmpi slt, %iota3A_9, %lt3A_92 : vector<128x64xi32>
    %convert_element_type3A_94 = arith.extui %lt3A_93 : vector<128x64xi1> to vector<128x64xi32>
    %convert_element_type3A_95 = arith.sitofp %convert_element_type3A_94 : vector<128x64xi32> to vector<128x64xf32>
    %concatenate3A = tpu.concatenate %convert_element_type3A_85, %convert_element_type3A_89 in 0 : vector<128x64xf32>, vector<128x64xf32> -> vector<256x64xf32>
    %dot_general3A = arith.constant dense<0.000000e+00> : vector<256x64xf32>
    %dot_general3A_96 = tpu.matmul %concatenate3A, %get3A_3, %dot_general3A {dimension_numbers = #tpu.dot_dimension_numbers<[1], [0], [0], [1], [0, 0, 1, 1], [], []>, transpose_lhs_hint = false} : vector<256x64xf32>, vector<64x64xf32>, vector<256x64xf32> -> vector<256x64xf32>
    %slice3A = vector.extract_strided_slice %dot_general3A_96 {offsets = [0, 0], sizes = [128, 64], strides = [1, 1]} : vector<256x64xf32> to vector<128x64xf32>
    %slice3A_97 = vector.extract_strided_slice %dot_general3A_96 {offsets = [128, 0], sizes = [128, 64], strides = [1, 1]} : vector<256x64xf32> to vector<128x64xf32>
    %get3A_98 = arith.constant 0 : index
    %get3A_99 = arith.constant 0 : index
    %get3A_100 = vector.load %arg10[%get3A_98, %get3A_99] : memref<64x128xf32, #tpu.memory_space<vmem>>, vector<64x128xf32>
    %dot_general3A_101 = arith.constant dense<0.000000e+00> : vector<128x128xf32>
    %dot_general3A_102 = tpu.matmul %convert_element_type3A_85, %get3A_100, %dot_general3A_101 {dimension_numbers = #tpu.dot_dimension_numbers<[1], [0], [0], [1], [0, 0, 1, 1], [], []>, transpose_lhs_hint = false} : vector<128x64xf32>, vector<64x128xf32>, vector<128x128xf32> -> vector<128x128xf32>
    %slice3A_103 = vector.extract_strided_slice %dot_general3A_102 {offsets = [0, 0], sizes = [128, 64], strides = [1, 1]} : vector<128x128xf32> to vector<128x64xf32>
    %slice3A_104 = vector.extract_strided_slice %dot_general3A_102 {offsets = [0, 64], sizes = [128, 64], strides = [1, 1]} : vector<128x128xf32> to vector<128x64xf32>
    %mul3A_105 = arith.mulf %slice3A_104, %convert_element_type3A_89 : vector<128x64xf32>
    %reduce_sum3A_106 = arith.constant dense<0.000000e+00> : vector<128xf32>
    %reduce_sum3A_107 = vector.multi_reduction <add>, %mul3A_105, %reduce_sum3A_106 [1] : vector<128x64xf32> to vector<128xf32>
    %broadcast_in_dim3A_108 = vector.shape_cast %reduce_sum3A_107 : vector<128xf32> to vector<128x1xf32>
    %mul3A_109 = arith.mulf %slice3A, %convert_element_type3A_95 : vector<128x64xf32>
    %add3A_110 = arith.addf %slice3A_103, %mul3A_109 : vector<128x64xf32>
    %mul3A_111 = vector.broadcast %broadcast_in_dim3A_108 : vector<128x1xf32> to vector<128x64xf32>
    %mul3A_112 = arith.mulf %convert_element_type3A_85, %mul3A_111 : vector<128x64xf32>
    %select_n3A_113 = arith.select %lt3A_81, %add3A_110, %mul3A_112 : vector<128x64xi1>, vector<128x64xf32>
    %add3A_114 = arith.constant 1.000000e+00 : f32
    %add3A_115 = vector.broadcast %add3A_114 : f32 to vector<128x64xf32>
    %add3A_116 = arith.addf %add3A_115, %select_n3A_113 : vector<128x64xf32>
    %max3A = arith.constant 1.000000e+00 : f32
    %max3A_117 = vector.broadcast %max3A : f32 to vector<128x64xf32>
    %max3A_118 = arith.maximumf %add3A_116, %max3A_117 : vector<128x64xf32>
    %rsqrt3A = math.rsqrt %max3A_118 : vector<128x64xf32>
    %gt3A = arith.constant 0.000000e+00 : f32
    %gt3A_119 = vector.broadcast %gt3A : f32 to vector<128x64xf32>
    %gt3A_120 = arith.cmpf ogt, %convert_element_type3A_85, %gt3A_119 : vector<128x64xf32>
    %mul3A_121 = arith.mulf %slice3A, %convert_element_type3A_95 : vector<128x64xf32>
    %jit3A_122 = arith.constant 1.000000e+00 : f32
    %broadcast_in_dim3A_123 = vector.broadcast %jit3A_122 : f32 to vector<128x64xf32>
    %select_n3A_124 = arith.select %gt3A_120, %broadcast_in_dim3A_123, %mul3A_121 : vector<128x64xi1>, vector<128x64xf32>
    %gt3A_125 = arith.constant 0.000000e+00 : f32
    %gt3A_126 = vector.broadcast %gt3A_125 : f32 to vector<128x64xf32>
    %gt3A_127 = arith.cmpf ogt, %convert_element_type3A_89, %gt3A_126 : vector<128x64xf32>
    %lt3A_128 = arith.cmpi slt, %sub3A_78, %sub3A_42 : vector<128x1xi32>
    %broadcast_in_dim3A_129 = vector.shape_cast %lt3A_128 : vector<128x1xi1> to vector<128x1xi1>
    %broadcast_in_dim3A_130 = vector.broadcast %broadcast_in_dim3A_129 : vector<128x1xi1> to vector<128x64xi1>
    %select_n3A_131 = arith.select %broadcast_in_dim3A_130, %convert_element_type3A_91, %convert_element_type3A_95 : vector<128x64xi1>, vector<128x64xf32>
    %mul3A_132 = arith.mulf %slice3A_97, %select_n3A_131 : vector<128x64xf32>
    %jit3A_133 = arith.constant 1.000000e+00 : f32
    %broadcast_in_dim3A_134 = vector.broadcast %jit3A_133 : f32 to vector<128x64xf32>
    %select_n3A_135 = arith.select %gt3A_127, %broadcast_in_dim3A_134, %mul3A_132 : vector<128x64xi1>, vector<128x64xf32>
    %mul3A_136 = arith.mulf %convert_element_type3A_85, %rsqrt3A : vector<128x64xf32>
    %reduce_sum3A_137 = arith.constant dense<0.000000e+00> : vector<128xf32>
    %reduce_sum3A_138 = vector.multi_reduction <add>, %mul3A_136, %reduce_sum3A_137 [1] : vector<128x64xf32> to vector<128xf32>
    %broadcast_in_dim3A_139 = vector.shape_cast %reduce_sum3A_138 : vector<128xf32> to vector<128x1xf32>
    %mul3A_140 = arith.mulf %convert_element_type3A_89, %rsqrt3A : vector<128x64xf32>
    %reduce_sum3A_141 = arith.constant dense<0.000000e+00> : vector<128xf32>
    %reduce_sum3A_142 = vector.multi_reduction <add>, %mul3A_140, %reduce_sum3A_141 [1] : vector<128x64xf32> to vector<128xf32>
    %broadcast_in_dim3A_143 = vector.shape_cast %reduce_sum3A_142 : vector<128xf32> to vector<128x1xf32>
    %mul3A_144 = vector.broadcast %broadcast_in_dim3A_139 : vector<128x1xf32> to vector<128x64xf32>
    %mul3A_145 = arith.mulf %mul3A_144, %select_n3A_124 : vector<128x64xf32>
    %mul3A_146 = vector.broadcast %broadcast_in_dim3A_143 : vector<128x1xf32> to vector<128x64xf32>
    %mul3A_147 = arith.mulf %mul3A_146, %select_n3A_135 : vector<128x64xf32>
    %mul3A_148 = vector.broadcast %broadcast_in_dim3A_139 : vector<128x1xf32> to vector<128x64xf32>
    %mul3A_149 = arith.mulf %mul3A_148, %select_n3A_124 : vector<128x64xf32>
    %mul3A_150 = vector.broadcast %broadcast_in_dim3A_143 : vector<128x1xf32> to vector<128x64xf32>
    %mul3A_151 = arith.mulf %mul3A_150, %select_n3A_135 : vector<128x64xf32>
    %add3A_152 = arith.addf %mul3A_149, %mul3A_151 : vector<128x64xf32>
    %mul3A_153 = arith.mulf %rsqrt3A, %add3A_152 : vector<128x64xf32>
    %iota3A_154 = tpu.iota {dimensions = array<i32: 1>} : vector<128x64x1xi32>
    %lt3A_155 = vector.broadcast %broadcast_in_dim3A_79 : vector<128x1x1xi32> to vector<128x64x1xi32>
    %lt3A_156 = arith.cmpi slt, %iota3A_154, %lt3A_155 : vector<128x64x1xi32>
    %convert_element_type3A_157 = arith.extui %lt3A_156 : vector<128x64x1xi1> to vector<128x64x1xi32>
    %convert_element_type3A_158 = arith.sitofp %convert_element_type3A_157 : vector<128x64x1xi32> to vector<128x64x1xf32>
    %eq3A_159 = vector.broadcast %broadcast_in_dim3A_79 : vector<128x1x1xi32> to vector<128x64x1xi32>
    %eq3A_160 = arith.cmpi eq, %iota3A_154, %eq3A_159 : vector<128x64x1xi32>
    %convert_element_type3A_161 = arith.extui %eq3A_160 : vector<128x64x1xi1> to vector<128x64x1xi32>
    %convert_element_type3A_162 = arith.sitofp %convert_element_type3A_161 : vector<128x64x1xi32> to vector<128x64x1xf32>
    %lt3A_163 = vector.broadcast %broadcast_in_dim3A_80 : vector<128x1x1xi32> to vector<128x64x1xi32>
    %lt3A_164 = arith.cmpi slt, %iota3A_154, %lt3A_163 : vector<128x64x1xi32>
    %convert_element_type3A_165 = arith.extui %lt3A_164 : vector<128x64x1xi1> to vector<128x64x1xi32>
    %convert_element_type3A_166 = arith.sitofp %convert_element_type3A_165 : vector<128x64x1xi32> to vector<128x64x1xf32>
    %mul3A_167 = arith.mulf %convert_element_type3A_91, %rsqrt3A : vector<128x64xf32>
    %broadcast_in_dim3A_168 = vector.shape_cast %mul3A_167 : vector<128x64xf32> to vector<128x1x64xf32>
    %mul3A_169 = arith.mulf %convert_element_type3A_95, %rsqrt3A : vector<128x64xf32>
    %broadcast_in_dim3A_170 = vector.shape_cast %mul3A_169 : vector<128x64xf32> to vector<128x1x64xf32>
    %mul3A_171 = arith.mulf %convert_element_type3A_85, %rsqrt3A : vector<128x64xf32>
    %broadcast_in_dim3A_172 = vector.shape_cast %mul3A_171 : vector<128x64xf32> to vector<128x1x64xf32>
    %iota3A_173 = tpu.iota {dimensions = array<i32: 0>} : vector<64x64xi32>
    %iota3A_174 = tpu.iota {dimensions = array<i32: 1>} : vector<64x64xi32>
    %eq3A_175 = arith.cmpi eq, %iota3A_173, %iota3A_174 : vector<64x64xi32>
    %broadcast_in_dim3A_176 = vector.shape_cast %eq3A_175 : vector<64x64xi1> to vector<1x64x64xi1>
    %broadcast_in_dim3A_177 = vector.shape_cast %rsqrt3A : vector<128x64xf32> to vector<128x1x64xf32>
    %broadcast_in_dim3A_178 = vector.shape_cast %get3A_3 : vector<64x64xf32> to vector<1x64x64xf32>
    %mul3A_179 = vector.broadcast %convert_element_type3A_158 : vector<128x64x1xf32> to vector<128x64x64xf32>
    %mul3A_180 = vector.broadcast %broadcast_in_dim3A_168 : vector<128x1x64xf32> to vector<128x64x64xf32>
    %mul3A_181 = arith.mulf %mul3A_179, %mul3A_180 : vector<128x64x64xf32>
    %mul3A_182 = vector.broadcast %convert_element_type3A_162 : vector<128x64x1xf32> to vector<128x64x64xf32>
    %mul3A_183 = vector.broadcast %broadcast_in_dim3A_170 : vector<128x1x64xf32> to vector<128x64x64xf32>
    %mul3A_184 = arith.mulf %mul3A_182, %mul3A_183 : vector<128x64x64xf32>
    %add3A_185 = arith.addf %mul3A_181, %mul3A_184 : vector<128x64x64xf32>
    %mul3A_186 = vector.broadcast %convert_element_type3A_166 : vector<128x64x1xf32> to vector<128x64x64xf32>
    %mul3A_187 = vector.broadcast %broadcast_in_dim3A_172 : vector<128x1x64xf32> to vector<128x64x64xf32>
    %mul3A_188 = arith.mulf %mul3A_186, %mul3A_187 : vector<128x64x64xf32>
    %add3A_189 = arith.addf %add3A_185, %mul3A_188 : vector<128x64x64xf32>
    %mul3A_190 = vector.broadcast %broadcast_in_dim3A_178 : vector<1x64x64xf32> to vector<128x64x64xf32>
    %mul3A_191 = arith.mulf %mul3A_190, %add3A_189 : vector<128x64x64xf32>
    %broadcast_in_dim3A_192 = vector.shape_cast %broadcast_in_dim3A_176 : vector<1x64x64xi1> to vector<1x64x64xi1>
    %broadcast_in_dim3A_193 = vector.broadcast %broadcast_in_dim3A_192 : vector<1x64x64xi1> to vector<128x64x64xi1>
    %broadcast_in_dim3A_194 = vector.shape_cast %broadcast_in_dim3A_177 : vector<128x1x64xf32> to vector<128x1x64xf32>
    %broadcast_in_dim3A_195 = vector.broadcast %broadcast_in_dim3A_194 : vector<128x1x64xf32> to vector<128x64x64xf32>
    %select_n3A_196 = arith.select %broadcast_in_dim3A_193, %broadcast_in_dim3A_195, %mul3A_191 : vector<128x64x64xi1>, vector<128x64x64xf32>
    %iota3A_197 = tpu.iota {dimensions = array<i32: 2>} : vector<128x64x8xi32>
    %eq3A_198 = arith.constant 0 : i32
    %eq3A_199 = vector.broadcast %eq3A_198 : i32 to vector<128x64x8xi32>
    %eq3A_200 = arith.cmpi eq, %iota3A_197, %eq3A_199 : vector<128x64x8xi32>
    %broadcast_in_dim3A_201 = vector.shape_cast %mul3A_145 : vector<128x64xf32> to vector<128x64x1xf32>
    %jit3A_202 = arith.constant 0.000000e+00 : f32
    %broadcast_in_dim3A_203 = vector.shape_cast %broadcast_in_dim3A_201 : vector<128x64x1xf32> to vector<128x64x1xf32>
    %broadcast_in_dim3A_204 = vector.broadcast %broadcast_in_dim3A_203 : vector<128x64x1xf32> to vector<128x64x8xf32>
    %broadcast_in_dim3A_205 = vector.broadcast %jit3A_202 : f32 to vector<128x64x8xf32>
    %select_n3A_206 = arith.select %eq3A_200, %broadcast_in_dim3A_204, %broadcast_in_dim3A_205 : vector<128x64x8xi1>, vector<128x64x8xf32>
    %eq3A_207 = arith.constant 1 : i32
    %eq3A_208 = vector.broadcast %eq3A_207 : i32 to vector<128x64x8xi32>
    %eq3A_209 = arith.cmpi eq, %iota3A_197, %eq3A_208 : vector<128x64x8xi32>
    %broadcast_in_dim3A_210 = vector.shape_cast %mul3A_147 : vector<128x64xf32> to vector<128x64x1xf32>
    %jit3A_211 = arith.constant 0.000000e+00 : f32
    %broadcast_in_dim3A_212 = vector.shape_cast %broadcast_in_dim3A_210 : vector<128x64x1xf32> to vector<128x64x1xf32>
    %broadcast_in_dim3A_213 = vector.broadcast %broadcast_in_dim3A_212 : vector<128x64x1xf32> to vector<128x64x8xf32>
    %broadcast_in_dim3A_214 = vector.broadcast %jit3A_211 : f32 to vector<128x64x8xf32>
    %select_n3A_215 = arith.select %eq3A_209, %broadcast_in_dim3A_213, %broadcast_in_dim3A_214 : vector<128x64x8xi1>, vector<128x64x8xf32>
    %add3A_216 = arith.addf %select_n3A_206, %select_n3A_215 : vector<128x64x8xf32>
    %reshape3A_217 = vector.shape_cast %add3A_216 : vector<128x64x8xf32> to vector<8192x8xf32>
    %reshape3A_218 = vector.shape_cast %select_n3A_196 : vector<128x64x64xf32> to vector<8192x64xf32>
    %get3A_219 = arith.constant 0 : index
    %get3A_220 = arith.constant 0 : index
    %get3A_221 = vector.load %arg8[%get3A_219, %get3A_220] : memref<64x256xf32, #tpu.memory_space<vmem>>, vector<64x256xf32>
    %dot_general3A_222 = arith.constant dense<0.000000e+00> : vector<8192x256xf32>
    %dot_general3A_223 = tpu.matmul %reshape3A_218, %get3A_221, %dot_general3A_222 {dimension_numbers = #tpu.dot_dimension_numbers<[1], [0], [0], [1], [0, 0, 1, 1], [], []>, transpose_lhs_hint = false} : vector<8192x64xf32>, vector<64x256xf32>, vector<8192x256xf32> -> vector<8192x256xf32>
    %get3A_224 = arith.constant 0 : index
    %get3A_225 = arith.constant 0 : index
    %get3A_226 = vector.load %arg11[%get3A_224, %get3A_225] : memref<8x512xf32, #tpu.memory_space<vmem>>, vector<8x512xf32>
    %dot_general3A_227 = arith.constant dense<0.000000e+00> : vector<8192x512xf32>
    %dot_general3A_228 = tpu.matmul %reshape3A_217, %get3A_226, %dot_general3A_227 {dimension_numbers = #tpu.dot_dimension_numbers<[1], [0], [0], [1], [0, 0, 1, 1], [], []>, transpose_lhs_hint = false} : vector<8192x8xf32>, vector<8x512xf32>, vector<8192x512xf32> -> vector<8192x512xf32>
    %slice3A_229 = vector.extract_strided_slice %dot_general3A_228 {offsets = [0, 0], sizes = [8192, 256], strides = [1, 1]} : vector<8192x512xf32> to vector<8192x256xf32>
    %slice3A_230 = vector.extract_strided_slice %dot_general3A_228 {offsets = [0, 256], sizes = [8192, 256], strides = [1, 1]} : vector<8192x512xf32> to vector<8192x256xf32>
    %add3A_231 = arith.addf %dot_general3A_223, %slice3A_229 : vector<8192x256xf32>
    %reshape3A_232 = vector.shape_cast %add3A_231 : vector<8192x256xf32> to vector<128x64x256xf32>
    %add3A_233 = arith.addf %dot_general3A_223, %slice3A_230 : vector<8192x256xf32>
    %reshape3A_234 = vector.shape_cast %add3A_233 : vector<8192x256xf32> to vector<128x64x256xf32>
    %max3A_235 = arith.constant 0.000000e+00 : f32
    %max3A_236 = vector.broadcast %max3A_235 : f32 to vector<128x64x256xf32>
    %max3A_237 = arith.maximumf %reshape3A_232, %max3A_236 : vector<128x64x256xf32>
    %mul3A_238 = vector.broadcast %reshape3A : vector<1x1x256xf32> to vector<128x64x256xf32>
    %mul3A_239 = arith.mulf %max3A_237, %mul3A_238 : vector<128x64x256xf32>
    %reduce_sum3A_240 = arith.constant dense<0.000000e+00> : vector<128x64xf32>
    %reduce_sum3A_241 = vector.multi_reduction <add>, %mul3A_239, %reduce_sum3A_240 [2] : vector<128x64x256xf32> to vector<128x64xf32>
    %mul3A_242 = arith.mulf %rsqrt3A, %reduce_sum3A_241 : vector<128x64xf32>
    %max3A_243 = arith.constant 0.000000e+00 : f32
    %max3A_244 = vector.broadcast %max3A_243 : f32 to vector<128x64x256xf32>
    %max3A_245 = arith.maximumf %reshape3A_234, %max3A_244 : vector<128x64x256xf32>
    %mul3A_246 = vector.broadcast %reshape3A : vector<1x1x256xf32> to vector<128x64x256xf32>
    %mul3A_247 = arith.mulf %max3A_245, %mul3A_246 : vector<128x64x256xf32>
    %reduce_sum3A_248 = arith.constant dense<0.000000e+00> : vector<128x64xf32>
    %reduce_sum3A_249 = vector.multi_reduction <add>, %mul3A_247, %reduce_sum3A_248 [2] : vector<128x64x256xf32> to vector<128x64xf32>
    %mul3A_250 = arith.mulf %rsqrt3A, %reduce_sum3A_249 : vector<128x64xf32>
    %mul3A_251 = arith.mulf %mul3A_153, %mul3A_242 : vector<128x64xf32>
    %reduce_sum3A_252 = arith.constant dense<0.000000e+00> : vector<128xf32>
    %reduce_sum3A_253 = vector.multi_reduction <add>, %mul3A_251, %reduce_sum3A_252 [1] : vector<128x64xf32> to vector<128xf32>
    %swap3A = arith.constant 0 : index
    %swap3A_254 = arith.constant 0 : index
    %swap3A_255 = arith.constant 0 : index
    %swap3A_256 = vector.load %arg6[%swap3A, %swap3A_254, %swap3A_255] : memref<1x1x128xf32, #tpu.memory_space<vmem>>, vector<1x1x128xf32>
    %swap3A_257 = vector.shape_cast %swap3A_256 : vector<1x1x128xf32> to vector<128xf32>
    %swap3A_258 = vector.shape_cast %reduce_sum3A_253 : vector<128xf32> to vector<1x1x128xf32>
    tpu.vector_store %arg6[%swap3A, %swap3A_254, %swap3A_255], %swap3A_258 {strides = array<i32>} : memref<1x1x128xf32, #tpu.memory_space<vmem>>, vector<1x1x128xf32>,
    %mul3A_259 = arith.mulf %mul3A_153, %mul3A_250 : vector<128x64xf32>
    %reduce_sum3A_260 = arith.constant dense<0.000000e+00> : vector<128xf32>
    %reduce_sum3A_261 = vector.multi_reduction <add>, %mul3A_259, %reduce_sum3A_260 [1] : vector<128x64xf32> to vector<128xf32>
    %swap3A_262 = arith.constant 0 : index
    %swap3A_263 = arith.constant 0 : index
    %swap3A_264 = arith.constant 0 : index
    %swap3A_265 = vector.load %arg7[%swap3A_262, %swap3A_263, %swap3A_264] : memref<1x1x128xf32, #tpu.memory_space<vmem>>, vector<1x1x128xf32>
    %swap3A_266 = vector.shape_cast %swap3A_265 : vector<1x1x128xf32> to vector<128xf32>
    %swap3A_267 = vector.shape_cast %reduce_sum3A_261 : vector<128xf32> to vector<1x1x128xf32>
    tpu.vector_store %arg7[%swap3A_262, %swap3A_263, %swap3A_264], %swap3A_267 {strides = array<i32>} : memref<1x1x128xf32, #tpu.memory_space<vmem>>, vector<1x1x128xf32>,
    return
  }
  func.func @transform_0(%arg0: i32) -> (i32, i32) {
    %c0_i32 = arith.constant 0 : i32
    %c0_i32_0 = arith.constant 0 : i32
    %c0_i32_1 = arith.constant 0 : i32
    return %c0_i32, %c0_i32_0 : i32, i32
  }
  func.func @transform_1(%arg0: i32) -> (i32, i32) {
    %c0_i32 = arith.constant 0 : i32
    %c0_i32_0 = arith.constant 0 : i32
    %c0_i32_1 = arith.constant 0 : i32
    return %c0_i32, %c0_i32_0 : i32, i32
  }
  func.func @transform_2(%arg0: i32) -> (i32, i32) {
    %c0_i32 = arith.constant 0 : i32
    %c0_i32_0 = arith.constant 0 : i32
    %c0_i32_1 = arith.constant 0 : i32
    return %c0_i32, %c0_i32_0 : i32, i32
  }
  func.func @transform_3(%arg0: i32) -> (i32, i32) {
    %c0_i32 = arith.constant 0 : i32
    %c0_i32_0 = arith.constant 0 : i32
    %c0_i32_1 = arith.constant 0 : i32
    return %c0_i32, %c0_i32_0 : i32, i32
  }
  func.func @transform_4(%arg0: i32) -> (i32, i32) {
    %c0_i32 = arith.constant 0 : i32
    %c0_i32_0 = arith.constant 0 : i32
    %c0_i32_1 = arith.constant 0 : i32
    return %c0_i32, %c0_i32_0 : i32, i32
  }
  func.func @transform_5(%arg0: i32) -> (i32, i32, i32) {
    %c0_i32 = arith.constant 0 : i32
    %c0_i32_0 = arith.constant 0 : i32
    %c0_i32_1 = arith.constant 0 : i32
    return %arg0, %c0_i32, %c0_i32_0 : i32, i32, i32
  }
  func.func @transform_6(%arg0: i32) -> (i32, i32, i32) {
    %c0_i32 = arith.constant 0 : i32
    %c0_i32_0 = arith.constant 0 : i32
    %c0_i32_1 = arith.constant 0 : i32
    return %arg0, %c0_i32, %c0_i32_0 : i32, i32, i32
  }
}

</mosaic_0001>

<sc_bundles>
// kernel: gather_offload_async_start.1
scs
__scs_entry_jumppad:
0x0: {  	(pc) =	sbr.rel $0x88, $3  }
0x1: {  	(tag) =	ssettag $0x0;
	lr =	simm.s32 $0x1  }
0x2: {  	[smem:$0x3F9D] =	sst lr;
	_ =	strace $0xD0000000  }
0x3: {  	_ = 	snop  }
0x4: {  	_ = 	snop  }
0x5: {  	_ = 	snop  }
0x6: {  	_ = 	snop  }
0x7: {  	_ = 	snop  }
__scs_overlays_trampoline_lowered:
0x8: {  	[smem:$0x3FAC] =	sst s0  }
0x9: {  	[smem:$0x3FAD] =	sst s1  }
0xa: {  	[smem:$0x3FAE] =	sst s2  }
0xb: {  	[smem:$0x3FAF] =	sst s3  }
0xc: {  	[smem:$0x3FB0] =	sst s4  }
0xd: {  	[smem:$0x3FB1] =	sst s5  }
0xe: {  	[smem:$0x3FB2] =	sst s6  }
0xf: {  	[smem:$0x3FB3] =	sst s7  }
0x10: {  	[smem:$0x3FB4] =	sst s8  }
0x11: {  	[smem:$0x3FB5] =	sst s9;
	s0 =	simm.s32 @!p0 $0x0  }
0x12: {  	s1 =	sld [smem:$0x3F9B];
	s0 =	simm.s32 @p0 $0x1  }
0x13: {  	[smem:$0x3FB6] =	sst s0;
	s0 =	simm.s32 @!p1 $0x0  }
0x14: {  	s2 =	sld [smem:$0x3F9A];
	s0 =	simm.s32 @p1 $0x1  }
0x15: {  	[smem:$0x3FB7] =	sst s0;
	s0 =	simm.s32 @!p2 $0x0  }
0x16: {  	s3 =	sld [smem:$0x3FDB];
	s0 =	simm.s32 @p2 $0x1  }
0x17: {  	s4 =	simm.s32 $0x1BF5;
	[smem:$0x3FB9] =	sst s0  }
0x18: {  	s0 =	sld [smem:$0x3F9C];
	_ =	swait.ge [sflag:s4], $0x0  }
0x19: {  	s7 =	sld [smem:$0x3F9D]  }
0x1a: {  	s8 =	sadd.s32 $0xFFFFE003, lr  }
0x1b: {  	s9 =	sadd.s32 $0xFFFFFEF7, lr;
	s5 =	simm.s32 $0xFFFFFFFF;
	p2 =	slt.u32 s8, $0xFFFFF086  }
0x1c: {  	p1 =	slt.u32 s9, $0xF7A;
	s5 =	simm.s32 @!p2 $0x0  }
0x1d: {  	s5 =	simm.s32 @p1 $0x1;
	p0 =	seq.s32 s7, s2  }
0x1e: {  	s7 =	smul.u32 @!p0 $0xF7A, s2;
	p2 =	seq.s32 @!p0 s5, $0x0  }
0x1f: {  	s9 =	smul.u32 $0xF7A, s1;
	s8 =	simm.s32 @!p0 $0x1BF5;
	p2 =	por !p2, p0  }
0x20: {  	[sflag:s8] =	ssyncset.s32 @!p0 $0xFFFFF086;
	s6 =	sadd.s32 @!p0 s3, s7;
	s7 =	simm.s32 @!p0 $0x108  }
0x21: {  	s3 =	sadd.s32 s3, s9;
	s6 =	sadd.s32 @!p0 $0x88, s6;
	s7 =	simm.s32 @p2 $0x1082  }
0x22: {  	[simem:s7], [sflag:s8] =	dma.local @!p0 [hbm:s6], $0xF7A  }
0x23: {  	s9 =	sor.u32 $0xD0000000, s2;
	s6 =	simm.s32 $0x108;
	_ =	swait.ge @!p0 [sflag:s8], $0x0  }
0x24: {  	s3 =	sadd.s32 $0x88, s3;
	s6 =	simm.s32 @!p1 $0x1082;
	[sflag:s4] =	ssyncset.s32 $0xFFFFF086  }
0x25: {  	[simem:s6], [sflag:s4] =	dma.local [hbm:s3], $0xF7A  }
0x26: {  	[smem:$0x3F9D] =	sst s1;
	(tag) =	ssettag s2;
	_ =	strace s9  }
0x27: {  	s1 =	sld [smem:$0x3FAD]  }
0x28: {  	s2 =	sld [smem:$0x3FAE]  }
0x29: {  	s4 =	sld [smem:$0x3FB0]  }
0x2a: {  	p0 =	seq.s32 s5, $0x0;
	s5 =	sld [smem:$0x3FB1]  }
0x2b: {  	s6 =	sld [smem:$0x3FB2]  }
0x2c: {  	s7 =	sld [smem:$0x3FB3]  }
0x2d: {  	s3 =	simm.s32 $0x108;
	s8 =	sld [smem:$0x3FB4]  }
0x2e: {  	s3 =	simm.s32 @!p0 $0x1082;
	s9 =	sld [smem:$0x3FB5]  }
0x2f: {  	lr =	sadd.s32 s0, s3;
	s0 =	sld [smem:$0x3FAC]  }
0x30: {  	s3 =	sld [smem:$0x3FAF]  }
0x31: {  	[smem:$0x3FB8] =	sst s10  }
0x32: {  	s10 =	sld [smem:$0x3FB6];
	_ =	sdelay $0x3  }
0x33: {  	p0 =	seq.s32 s10, $0x1;
	s10 =	sld [smem:$0x3FB8];
	_ =	sdelay $0x3  }
0x34: {  	[smem:$0x3FB8] =	sst s10  }
0x35: {  	s10 =	sld [smem:$0x3FB7];
	_ =	sdelay $0x3  }
0x36: {  	p1 =	seq.s32 s10, $0x1;
	s10 =	sld [smem:$0x3FB8];
	_ =	sdelay $0x3  }
0x37: {  	[smem:$0x3FB8] =	sst s10  }
0x38: {  	s10 =	sld [smem:$0x3FB9]  }
0x39: {  	_ = 	snop;
	(pc) =	sbr.ind lr, $3  }
0x3a: {  	_ = 	snop  }
0x3b: {  	_ = 	snop  }
0x3c: {  	p2 =	seq.s32 s10, $0x1;
	s10 =	sld [smem:$0x3FB8]  }
0x3d: {  	_ =	shalt  }
0x3e: {  	_ =	shalt  }
0x3f: {  	_ =	shalt  }
0x40: {  	_ =	shalt  }
0x41: {  	_ =	shalt  }
0x42: {  	_ =	shalt  }
0x43: {  	_ =	shalt  }
0x44: {  	_ =	shalt  }
0x45: {  	_ =	shalt  }
0x46: {  	_ =	shalt  }
0x47: {  	_ =	shalt  }
0x48: {  	_ =	shalt  }
0x49: {  	_ =	shalt  }
0x4a: {  	_ =	shalt  }
0x4b: {  	_ =	shalt  }
0x4c: {  	_ =	shalt  }
0x4d: {  	_ =	shalt  }
0x4e: {  	_ =	shalt  }
0x4f: {  	_ =	shalt  }
0x50: {  	_ =	shalt  }
0x51: {  	_ =	shalt  }
0x52: {  	_ =	shalt  }
0x53: {  	_ =	shalt  }
0x54: {  	_ =	shalt  }
0x55: {  	_ =	shalt  }
0x56: {  	_ =	shalt  }
0x57: {  	_ =	shalt  }
0x58: {  	_ =	shalt  }
0x59: {  	_ =	shalt  }
0x5a: {  	_ =	shalt  }
0x5b: {  	_ =	shalt  }
0x5c: {  	_ =	shalt  }
0x5d: {  	_ =	shalt  }
0x5e: {  	_ =	shalt  }
0x5f: {  	_ =	shalt  }
0x60: {  	_ =	shalt  }
0x61: {  	_ =	shalt  }
0x62: {  	_ =	shalt  }
0x63: {  	_ =	shalt  }
0x64: {  	_ =	shalt  }
0x65: {  	_ =	shalt  }
0x66: {  	_ =	shalt  }
0x67: {  	_ =	shalt  }
0x68: {  	_ =	shalt  }
0x69: {  	_ =	shalt  }
0x6a: {  	_ =	shalt  }
0x6b: {  	_ =	shalt  }
0x6c: {  	_ =	shalt  }
0x6d: {  	_ =	shalt  }
0x6e: {  	_ =	shalt  }
0x6f: {  	_ =	shalt  }
0x70: {  	_ =	shalt  }
0x71: {  	_ =	shalt  }
0x72: {  	_ =	shalt  }
0x73: {  	_ =	shalt  }
0x74: {  	_ =	shalt  }
0x75: {  	_ =	shalt  }
0x76: {  	_ =	shalt  }
0x77: {  	_ =	shalt  }
0x78: {  	_ =	shalt  }
0x79: {  	_ =	shalt  }
0x7a: {  	_ =	shalt  }
0x7b: {  	_ =	shalt  }
0x7c: {  	_ =	shalt  }
0x7d: {  	_ =	shalt  }
0x7e: {  	_ =	shalt  }
0x7f: {  	_ =	shalt  }
0x80: {  	_ =	shalt  }
0x81: {  	_ =	shalt  }
0x82: {  	_ =	shalt  }
0x83: {  	_ =	shalt  }
0x84: {  	_ =	shalt  }
0x85: {  	_ =	shalt  }
0x86: {  	_ =	shalt  }
0x87: {  	_ =	shalt  }
.Lfunc_end0:
.L_simem_size_0:
called_computation.1_lowered:
.L_overlay_start_0:
0x88: {  	s2 =	sld [smem:$0x3FD9]  }
0x89: {  	s3 =	sld [smem:$0x3FFE];
	_ =	sdelay $0x1  }
0x8a: {  	s1 =	srdreg.scid  }
0x8b: {  	s0 =	sand.u32 $0x1, s1  }
0x8c: {  	s17 =	sshll.u32 s0, $0xA;
	s2 =	sadd.s32 s3, s2  }
0x8d: {  	s2 =	sadd.s32 s2, s17  }
0x8e: {  	[smem:$0x3FC4] =	sst s2  }
0x8f: {  	_ = 	snop  }
0x90: {  	s2 =	sld [smem:$0x3FD0];
	(tm) =	ssettm $0x1  }
0x91: {  	s18 =	sld [smem:$0x3FFB];
	_ =	sdelay $0x3  }
0x92: {  	_ =	strace s18  }
0x93: {  	s3 =	sld [smem:$0x3FFC];
	_ =	sdelay $0x3  }
0x94: {  	_ =	strace s3  }
0x95: {  	s3 =	sld [smem:$0x3FFD];
	_ =	sdelay $0x3  }
0x96: {  	_ =	strace s3  }
0x97: {  	_ =	strace $0x8FFFFFFF  }
0x98: {  	s19 =	sld [smem:$0x3FDB];
	_ =	sdelay $0x1  }
0x99: {  	s4 =	simm.s32 $_scs_section_size  }
0x9a: {  	s5 =	simm.s32 $_size__tile_overlayer_lowered;
	s6 =	simm.s32 $_tile_overlayer_lowered  }
0x9b: {  	s22 =	simm.s32 $0x1BFF;
	s21 =	sshll.u32 s6, $0x1;
	s3 =	sadd.s32 s4, s19  }
0x9c: {  	s7 =	simm.s32 $0x0;
	s20 =	sshll.u32 s5, $0x1;
	s5 =	sadd.s32 s21, s3  }
0x9d: {  	[timem:s7], [sflag:s22] =	dma.local [hbm:s5], s20  }
0x9e: {  	_ =	swait.ge [sflag:s22], s20  }
0x9f: {  	s4 =	ssub.s32 $0x0, s20;
	[sflag:s22] =	ssyncset.done $0x0  }
0xa0: {  	[sflag:s22] =	ssyncadd.s32 s4;
	_ =	sdelay $0x1  }
0xa1: {  	s23 =	simm.s32 $0x1B8B  }
0xa2: {  	_ =	swait.ge [sflag:s23], $0x1  }
0xa3: {  	[sflag:s23] =	ssyncset.done $0x0  }
0xa4: {  	s25 =	simm.s32 $0x1B8E;
	s24 =	sld [smem:$0x3FFE];
	[sflag:s23] =	ssyncadd.s32 $0xFFFFFFFF  }
0xa5: {  	s26 =	simm.s32 $execute0_lowered;
	[smem:$0x3FD2] =	sst s25  }
0xa6: {  	s5 =	sshll.u32 s26, $0x1;
	_ =	strace $0x80000046;
	[dreg:$0x1] =	wrdreg $0xFFFFFFFF  }
0xa7: {  	s28 =	simm.s32 $_size_execute0_lowered;
	s3 =	sadd.s32 s3, s5;
	[dreg:$0x0] =	wrdreg $0x0  }
0xa8: {  	s5 =	sshll.u32 s28, $0x1;
	[dreg:$0x2] =	wrdreg s3  }
0xa9: {  	[dreg:$0x3] =	wrdreg s5  }
0xaa: {  	[dreg:$0x4] =	wrdreg $0xC0  }
0xab: {  	_ =	task [dreg:s7], $0x5FFFF  }
0xac: {  	[dreg:$0x1] =	wrdreg $0xFFFFFFFF  }
0xad: {  	[dreg:$0x0] =	wrdreg $0x60  }
0xae: {  	[dreg:$0x2] =	wrdreg s24  }
0xaf: {  	[dreg:$0x3] =	wrdreg s2  }
0xb0: {  	[dreg:$0x4] =	wrdreg $0x9  }
0xb1: {  	_ =	task.clear_ibuf [dreg:s7], $0x5FFFF;
	_ =	strace $0x90000046  }
0xb2: {  	s29 =	simm.s32 $0x9;
	_ =	strace $0x80000048  }
0xb3: {  	_ =	swait.ge [sflag:s29], $0x1  }
0xb4: {  	[sflag:s29] =	ssyncadd.s32 $0xFFFFFFFF  }
0xb5: {  	_ =	strace $0x90000048  }
0xb6: {  	_ =	sfence  }
0xb7: {  	s30 =	sld [smem:$0x0];
	_ =	sdelay $0x2  }
0xb8: {  	s31 =	sshll.u32 s1, $0xD;
	s1 =	sshrl.u32 s1, $0x2  }
0xb9: {  	s3 =	sand.u32 $0x4000, s31;
	s1 =	sadd.s32 s1, s30  }
0xba: {  	s0 =	sor.u32 s3, s0;
	s1 =	sshll.u32 s1, $0x11  }
0xbb: {  	s0 =	sor.u32 s1, s0  }
0xbc: {  	s0 =	sadd.s32 $0x8F2B, s0  }
0xbd: {  	[sflag:s0] =	ssyncadd.remote.s32 $0x1  }
0xbe: {  	_ =	sfence.sel $0xFFFF  }
0xbf: {  	[dreg:$0x0] =	wrdreg $0xFFFFFFFF;
	(pc) =	sbr.abs _section_cstart, $3  }
0xc0: {  	[dreg:$0x1] =	wrdreg $0xFFFFFFFF  }
0xc1: {  	_ =	task.clear_ibuf [dreg:s7], $0x2FFFF;
	_ =	strace $0x9FFFFFFF  }
0xc2: {  	(tm) =	ssettm $0x7FFFFFFF  }
0xc3: {  	_ =	shalt  }
tec
execute0_lowered:
.L_overlay_start_1:
0x0: {  	(tag) =	ssettag $0x1  }
0x1: {  	s1 =	srdreg.scid;
	s5 =	rddreg [dreg:$0x0]  }
0x2: {  	s0 =	stileid.u32;
	s2 =	rddreg [dreg:$0x1];
	s6 =	simm.s32 $0x1  }
0x3: {  	s9 =	simm.s32 $0x1;
	s10 =	simm.s32 $0x3;
	s1 =	sshll.u32 s1, $0x6  }
0x4: {  	s13 =	simm.s32 $0x0;
	s3 =	sshll.u32 s0, $0x7;
	s4 =	sand.u32 $0x40, s1  }
0x5: {  	s12 =	simm.s32 $0x0;
	s1 =	rddreg [dreg:$0x2];
	s3 =	sor.u32 s3, s4  }
0x6: {  	_ =	strace $0x80000047;
	s4 =	sadd.s32 $0xA00, s5;
	s8 =	ssub.s32 $0x1000, s3  }
.Ltmp0:
0x7: {  	s5 =	sadd.s32 $0xC00, s5;
	s7 =	sand.u32 $0x7C0, s8;
	(pc) =	sbr.rel .LBB2_1-.Ltmp0, $4  }
0x8: {  	[sflag:s6] =	ssyncpa.u1 $0x0;
	s11 =	smov.u32 s3;
	p0 =	sne.s32 s7, $0x0  }
0x9: {  	s8 =	sshrl.u32 s8, $0xB;
	s7 =	simm.s32 $0x2;
	s9 =	simm.s32 @!p0 $0x0  }
0xa: {  	[sflag:s7] =	ssyncpa.u1 $0x0;
	p0 =	por $0x0, $0x0;
	s8 =	sadd.s32 s9, s8  }
0xb: {  	vm0 =	vmmov $0xffff;
	[sflag:s10] =	ssyncpa.u1 $0x0;
	s10 =	simm.s32 $0x0;
	s9 =	sadd.s32 $0x1, s8  }
.LBB2_4:
0xc: {  	v2 =	vnsel vm1, $0x0, v2  }
0xd: {  	vm1 =	vgt.s32 v0, $0x0;
	v2 =	vmin.u32 v2, $0x87F  }
0xe: {  	v0 =	vnsel vm1, $0x0, v0  }
0xf: {  	v0 =	vmin.u32 v0, $0x87F  }
0x10: {  	[tilespmem:s15], [sflag:$0x1] =	stream.indirect_vreg.gather [hbm4b:s4+s10], $0x1, v1, vm0, $0x4038;
	[tilespmem:$0x100] =	vst v63  }
0x11: {  	(ifvalue) =	ssetifvalue $0x7FFFFFFF  }
0x12: {  	[tilespmem:s16], [sflag:$0x1] =	stream.indirect_vreg.gather [hbm4b:s4+s10], $0x1, v2, vm0, $0x4038;
	[tilespmem:$0x100] =	vst v63  }
0x13: {  	s29 =	sadd.s32 $0x10, s16;
	(ifvalue) =	ssetifvalue $0x7FFFFFFF  }
0x14: {  	[tilespmem:s29], [sflag:$0x1] =	stream.indirect_vreg.gather [hbm4b:s4+s10], $0x1, v0, vm0, $0x4038;
	[tilespmem:$0x100] =	vst v63  }
0x15: {  	_ =	swait.ge [sflag:s6], $0x40  }
0x16: {  	s30 =	sshrl.u32 s13, $0x3;
	[sflag:s6] =	ssyncset.done $0x0  }
0x17: {  	s31 =	sand.u32 $0x7, s13;
	s15 =	sadd.s32 s5, s30;
	[sflag:s6] =	ssyncadd.s32 $0xFFFFFFC0  }
0x18: {  	[hbm4b:s15+s31] =	stream.linear.scatter [tilespmem:s14], [sflag:$0x3], $0x40, $0x38;
	[tilespmem:$0x100] =	vst v63  }
.LBB2_5:
0x19: {  	s15 =	sadd.s32 $0x800, s11  }
0x1a: {  	p2 =	sgt.s32 s15, $0xFFF  }
0x1b: {  	s15 =	smov.u32 @p2 s3;
	p2 =	sne.s32 s12, s9  }
.Ltmp1:
0x1c: {  	p1 =	slt.u32 s12, $0x2;
	(pc) =	sbr.rel @!p2 .LBB2_6-.Ltmp1, $4  }
0x1d: {  	s14 =	simm.s32 @!p1 $0x3  }
0x1e: {  	s16 =	sadd.s32 $0x1, s12;
	_ =	swait.ge @!p1 [sflag:s14], $0x40  }
0x1f: {  	s13 =	smov.u32 s11;
	p0 =	por !p0, !p0;
	[sflag:s14] =	ssyncset.done @!p1 $0x0  }
0x20: {  	s12 =	smov.u32 s16;
	s11 =	smov.u32 s15;
	[sflag:s14] =	ssyncadd.s32 @!p1 $0xFFFFFFC0  }
.LBB2_1:
0x21: {  	p1 =	sge.u32 s12, s8  }
0x22: {  	s14 =	sxor.u32 @!p1 $0xFFFFFFFF, s12  }
0x23: {  	s31 =	sadd.s32 $0xFFFFFFFF, s12;
	s15 =	sshrl.u32 @!p1 s11, $0x3;
	s14 =	sshll.u32 @!p1 s14, $0x6  }
0x24: {  	s16 =	sand.u32 @!p1 $0x7, s11;
	s15 =	sadd.s32 @!p1 s2, s15;
	s14 =	sand.u32 @!p1 $0x40, s14  }
0x25: {  	[tilespmem:s14], [sflag:$0x2] =	stream.linear.gather @!p1 [hbm4b:s15+s16], $0x40, $0x38;
	[tilespmem:$0x100] =	vst v63  }
0x26: {  	p1 =	sge.u32 s31, s8  }
.Ltmp2:
0x27: {  	_ = 	snop;
	(pc) =	sbr.rel @p1 .LBB2_5-.Ltmp2, $1  }
0x28: {  	_ =	sdelay $0x3  }
0x29: {  	s14 =	simm.s32 $0x1  }
0x2a: {  	_ =	swait.ge [sflag:s7], $0x40;
	s14 =	simm.s32 @!p0 $0x0  }
0x2b: {  	[sflag:s7] =	ssyncset.done $0x0;
	s14 =	sshll.u32 s14, $0x6  }
0x2c: {  	[sflag:s7] =	ssyncadd.s32 $0xFFFFFFC0;
	(ifvalue) =	ssetifvalue $0x7FFFFFFF;
	v0 =	vld.msk [tilespmem:s14+$0x0 ss:$0x1], $0xffff;
	_ =	sdelay $0x4  }
0x2d: {  	s15 =	sadd.s32 $0x10, s14;
	vm1 =	vgt.s32 v0, $0x0  }
0x2e: {  	v2 =	vld.msk [tilespmem:s15+$0x0 ss:$0x1], $0xffff;
	v1 =	vnsel vm1, $0x0, v0  }
0x2f: {  	v1 =	vmin.u32 v1, $0x87F;
	_ =	sdelay $0x1  }
0x30: {  	s16 =	sshll.u32 s12, $0x6;
	s18 =	simm.s32 $0x20  }
0x31: {  	s16 =	sand.u32 $0x40, s16;
	s17 =	sadd.s32 $0x10, s15;
	s15 =	sor.u32 $0x80, s14  }
0x32: {  	s14 =	sor.u32 $0x80, s16;
	s16 =	sadd.s32 $0x10, s15;
	v0 =	vld.msk [tilespmem:s17+$0x0 ss:$0x1], $0xffff;
	vm1 =	vgt.s32 v2, $0x0;
	(ifvalue) =	ssetifvalue $0x7FFFFFFF  }
.LBB2_3:
0x33: {  	[tilespmem:s15], [sflag:$0x1] =	stream.indirect_vreg.gather [hbm4b:s4+s10], $0x1, v1, vm0, $0x4038;
	[tilespmem:$0x100] =	vst v63  }
0x34: {  	s18 =	sadd.s32 $0x10, s18  }
0x35: {  	v2 =	vnsel vm1, $0x0, v2;
	p1 =	slt.u32 s18, $0x30  }
.Ltmp3:
0x36: {  	s15 =	smov.u32 s16;
	v1 =	vmin.u32 v2, $0x87F;
	(pc) =	sbr.rel @p1 .LBB2_3-.Ltmp3, $3  }
0x37: {  	_ =	sdelay $0x1  }
0x38: {  	s17 =	sadd.s32 $0x10, s17  }
0x39: {  	vm1 =	vgt.s32 v0, $0x0;
	s16 =	sadd.s32 $0x10, s16;
	v2 =	vmov v0;
	(ifvalue) =	ssetifvalue $0x7FFFFFFF;
	v0 =	vld.msk [tilespmem:s17+$0x0 ss:$0x1], $0xffff  }
.Ltmp4:
0x3a: {  	_ = 	snop;
	(pc) =	sbr.rel .LBB2_4-.Ltmp4, $1  }
0x3b: {  	_ =	sdelay $0x3  }
.LBB2_6:
0x3c: {  	_ =	sfence.sel $0x180000  }
0x3d: {  	s2 =	simm.s32 $0x2;
	[bflag:$0x0] =	sbarrier.arrive $0xFFFF  }
0x3e: {  	s30 =	simm.s32 $0x3;
	[sflag:s2] =	ssyncpa.u1 $0x1  }
0x3f: {  	s31 =	simm.s32 $0x1;
	[sflag:s30] =	ssyncpa.u1 $0x1  }
0x40: {  	[sflag:s31] =	ssyncpa.u1 $0x1  }
0x41: {  	p0 =	sne.s32 s0, $0x0;
	_ =	strace $0x90000047  }
0x42: {  	s0 =	sadd.s32 @!p0 $0x100000, s1;
	[bflag:$0x2] =	sbarrier.arrive $0xFFFF  }
0x43: {  	[sflag:s0] =	ssyncadd.tile.s32 @!p0 $0x1;
	_ =	shalt  }
.Lfunc_end2:
_tile_overlayer_lowered:
.L_overlay_start_2:
0x44: {  	(tag) =	ssettag $0x2  }
0x45: {  	s0 =	rddreg [dreg:$0x0];
	s2 =	stileid.u32  }
0x46: {  	s1 =	rddreg [dreg:$0x1];
	p0 =	sne.s32 s2, $0x0  }
0x47: {  	s3 =	rddreg [dreg:$0x2];
	[bflag:$0x3] =	sbarrier.arrive $0xFFFF;
	s2 =	simm.s32 @!p0 $0x1C01  }
0x48: {  	[timem:s3], [sflag:s2] =	dma.local @!p0 [hbm:s0], s1  }
0x49: {  	s0 =	simm.s32 @!p0 $0x1  }
0x4a: {  	_ =	swait.ge @!p0 [sflag:s0], s1  }
0x4b: {  	s1 =	ssub.s32 @!p0 $0x0, s1;
	[sflag:s0] =	ssyncset.done @!p0 $0x0  }
0x4c: {  	[sflag:s0] =	ssyncadd.s32 @!p0 s1  }
0x4d: {  	[bflag:$0x3] =	sbarrier.arrive $0xFFFF  }
0x4e: {  	_ =	shalt  }

// kernel: gather_offload_async_start
scs
__scs_entry_jumppad:
0x0: {  	(pc) =	sbr.rel $0x88, $3  }
0x1: {  	(tag) =	ssettag $0x0;
	lr =	simm.s32 $0x1  }
0x2: {  	[smem:$0x3F9D] =	sst lr;
	_ =	strace $0xD0000000  }
0x3: {  	_ = 	snop  }
0x4: {  	_ = 	snop  }
0x5: {  	_ = 	snop  }
0x6: {  	_ = 	snop  }
0x7: {  	_ = 	snop  }
__scs_overlays_trampoline_lowered:
0x8: {  	[smem:$0x3FAC] =	sst s0  }
0x9: {  	[smem:$0x3FAD] =	sst s1  }
0xa: {  	[smem:$0x3FAE] =	sst s2  }
0xb: {  	[smem:$0x3FAF] =	sst s3  }
0xc: {  	[smem:$0x3FB0] =	sst s4  }
0xd: {  	[smem:$0x3FB1] =	sst s5  }
0xe: {  	[smem:$0x3FB2] =	sst s6  }
0xf: {  	[smem:$0x3FB3] =	sst s7  }
0x10: {  	[smem:$0x3FB4] =	sst s8  }
0x11: {  	[smem:$0x3FB5] =	sst s9;
	s0 =	simm.s32 @!p0 $0x0  }
0x12: {  	s1 =	sld [smem:$0x3F9B];
	s0 =	simm.s32 @p0 $0x1  }
0x13: {  	[smem:$0x3FB6] =	sst s0;
	s0 =	simm.s32 @!p1 $0x0  }
0x14: {  	s2 =	sld [smem:$0x3F9A];
	s0 =	simm.s32 @p1 $0x1  }
0x15: {  	[smem:$0x3FB7] =	sst s0;
	s0 =	simm.s32 @!p2 $0x0  }
0x16: {  	s3 =	sld [smem:$0x3FDB];
	s0 =	simm.s32 @p2 $0x1  }
0x17: {  	s4 =	simm.s32 $0x1BF5;
	[smem:$0x3FB9] =	sst s0  }
0x18: {  	s0 =	sld [smem:$0x3F9C];
	_ =	swait.ge [sflag:s4], $0x0  }
0x19: {  	s7 =	sld [smem:$0x3F9D]  }
0x1a: {  	s8 =	sadd.s32 $0xFFFFE003, lr  }
0x1b: {  	s9 =	sadd.s32 $0xFFFFFEF7, lr;
	s5 =	simm.s32 $0xFFFFFFFF;
	p2 =	slt.u32 s8, $0xFFFFF086  }
0x1c: {  	p1 =	slt.u32 s9, $0xF7A;
	s5 =	simm.s32 @!p2 $0x0  }
0x1d: {  	s5 =	simm.s32 @p1 $0x1;
	p0 =	seq.s32 s7, s2  }
0x1e: {  	s7 =	smul.u32 @!p0 $0xF7A, s2;
	p2 =	seq.s32 @!p0 s5, $0x0  }
0x1f: {  	s9 =	smul.u32 $0xF7A, s1;
	s8 =	simm.s32 @!p0 $0x1BF5;
	p2 =	por !p2, p0  }
0x20: {  	[sflag:s8] =	ssyncset.s32 @!p0 $0xFFFFF086;
	s6 =	sadd.s32 @!p0 s3, s7;
	s7 =	simm.s32 @!p0 $0x108  }
0x21: {  	s3 =	sadd.s32 s3, s9;
	s6 =	sadd.s32 @!p0 $0x88, s6;
	s7 =	simm.s32 @p2 $0x1082  }
0x22: {  	[simem:s7], [sflag:s8] =	dma.local @!p0 [hbm:s6], $0xF7A  }
0x23: {  	s9 =	sor.u32 $0xD0000000, s2;
	s6 =	simm.s32 $0x108;
	_ =	swait.ge @!p0 [sflag:s8], $0x0  }
0x24: {  	s3 =	sadd.s32 $0x88, s3;
	s6 =	simm.s32 @!p1 $0x1082;
	[sflag:s4] =	ssyncset.s32 $0xFFFFF086  }
0x25: {  	[simem:s6], [sflag:s4] =	dma.local [hbm:s3], $0xF7A  }
0x26: {  	[smem:$0x3F9D] =	sst s1;
	(tag) =	ssettag s2;
	_ =	strace s9  }
0x27: {  	s1 =	sld [smem:$0x3FAD]  }
0x28: {  	s2 =	sld [smem:$0x3FAE]  }
0x29: {  	s4 =	sld [smem:$0x3FB0]  }
0x2a: {  	p0 =	seq.s32 s5, $0x0;
	s5 =	sld [smem:$0x3FB1]  }
0x2b: {  	s6 =	sld [smem:$0x3FB2]  }
0x2c: {  	s7 =	sld [smem:$0x3FB3]  }
0x2d: {  	s3 =	simm.s32 $0x108;
	s8 =	sld [smem:$0x3FB4]  }
0x2e: {  	s3 =	simm.s32 @!p0 $0x1082;
	s9 =	sld [smem:$0x3FB5]  }
0x2f: {  	lr =	sadd.s32 s0, s3;
	s0 =	sld [smem:$0x3FAC]  }
0x30: {  	s3 =	sld [smem:$0x3FAF]  }
0x31: {  	[smem:$0x3FB8] =	sst s10  }
0x32: {  	s10 =	sld [smem:$0x3FB6];
	_ =	sdelay $0x3  }
0x33: {  	p0 =	seq.s32 s10, $0x1;
	s10 =	sld [smem:$0x3FB8];
	_ =	sdelay $0x3  }
0x34: {  	[smem:$0x3FB8] =	sst s10  }
0x35: {  	s10 =	sld [smem:$0x3FB7];
	_ =	sdelay $0x3  }
0x36: {  	p1 =	seq.s32 s10, $0x1;
	s10 =	sld [smem:$0x3FB8];
	_ =	sdelay $0x3  }
0x37: {  	[smem:$0x3FB8] =	sst s10  }
0x38: {  	s10 =	sld [smem:$0x3FB9]  }
0x39: {  	_ = 	snop;
	(pc) =	sbr.ind lr, $3  }
0x3a: {  	_ = 	snop  }
0x3b: {  	_ = 	snop  }
0x3c: {  	p2 =	seq.s32 s10, $0x1;
	s10 =	sld [smem:$0x3FB8]  }
0x3d: {  	_ =	shalt  }
0x3e: {  	_ =	shalt  }
0x3f: {  	_ =	shalt  }
0x40: {  	_ =	shalt  }
0x41: {  	_ =	shalt  }
0x42: {  	_ =	shalt  }
0x43: {  	_ =	shalt  }
0x44: {  	_ =	shalt  }
0x45: {  	_ =	shalt  }
0x46: {  	_ =	shalt  }
0x47: {  	_ =	shalt  }
0x48: {  	_ =	shalt  }
0x49: {  	_ =	shalt  }
0x4a: {  	_ =	shalt  }
0x4b: {  	_ =	shalt  }
0x4c: {  	_ =	shalt  }
0x4d: {  	_ =	shalt  }
0x4e: {  	_ =	shalt  }
0x4f: {  	_ =	shalt  }
0x50: {  	_ =	shalt  }
0x51: {  	_ =	shalt  }
0x52: {  	_ =	shalt  }
0x53: {  	_ =	shalt  }
0x54: {  	_ =	shalt  }
0x55: {  	_ =	shalt  }
0x56: {  	_ =	shalt  }
0x57: {  	_ =	shalt  }
0x58: {  	_ =	shalt  }
0x59: {  	_ =	shalt  }
0x5a: {  	_ =	shalt  }
0x5b: {  	_ =	shalt  }
0x5c: {  	_ =	shalt  }
0x5d: {  	_ =	shalt  }
0x5e: {  	_ =	shalt  }
0x5f: {  	_ =	shalt  }
0x60: {  	_ =	shalt  }
0x61: {  	_ =	shalt  }
0x62: {  	_ =	shalt  }
0x63: {  	_ =	shalt  }
0x64: {  	_ =	shalt  }
0x65: {  	_ =	shalt  }
0x66: {  	_ =	shalt  }
0x67: {  	_ =	shalt  }
0x68: {  	_ =	shalt  }
0x69: {  	_ =	shalt  }
0x6a: {  	_ =	shalt  }
0x6b: {  	_ =	shalt  }
0x6c: {  	_ =	shalt  }
0x6d: {  	_ =	shalt  }
0x6e: {  	_ =	shalt  }
0x6f: {  	_ =	shalt  }
0x70: {  	_ =	shalt  }
0x71: {  	_ =	shalt  }
0x72: {  	_ =	shalt  }
0x73: {  	_ =	shalt  }
0x74: {  	_ =	shalt  }
0x75: {  	_ =	shalt  }
0x76: {  	_ =	shalt  }
0x77: {  	_ =	shalt  }
0x78: {  	_ =	shalt  }
0x79: {  	_ =	shalt  }
0x7a: {  	_ =	shalt  }
0x7b: {  	_ =	shalt  }
0x7c: {  	_ =	shalt  }
0x7d: {  	_ =	shalt  }
0x7e: {  	_ =	shalt  }
0x7f: {  	_ =	shalt  }
0x80: {  	_ =	shalt  }
0x81: {  	_ =	shalt  }
0x82: {  	_ =	shalt  }
0x83: {  	_ =	shalt  }
0x84: {  	_ =	shalt  }
0x85: {  	_ =	shalt  }
0x86: {  	_ =	shalt  }
0x87: {  	_ =	shalt  }
.Lfunc_end0:
.L_simem_size_0:
called_computation_lowered:
.L_overlay_start_0:
0x88: {  	s2 =	sld [smem:$0x3FD9]  }
0x89: {  	s3 =	sld [smem:$0x3FFE];
	_ =	sdelay $0x1  }
0x8a: {  	s1 =	srdreg.scid  }
0x8b: {  	s0 =	sand.u32 $0x1, s1  }
0x8c: {  	s17 =	sshll.u32 s0, $0xA;
	s2 =	sadd.s32 s3, s2  }
0x8d: {  	s2 =	sadd.s32 s2, s17  }
0x8e: {  	[smem:$0x3FC4] =	sst s2  }
0x8f: {  	_ = 	snop  }
0x90: {  	s2 =	sld [smem:$0x3FD0];
	(tm) =	ssettm $0x1  }
0x91: {  	s18 =	sld [smem:$0x3FFB];
	_ =	sdelay $0x3  }
0x92: {  	_ =	strace s18  }
0x93: {  	s3 =	sld [smem:$0x3FFC];
	_ =	sdelay $0x3  }
0x94: {  	_ =	strace s3  }
0x95: {  	s3 =	sld [smem:$0x3FFD];
	_ =	sdelay $0x3  }
0x96: {  	_ =	strace s3  }
0x97: {  	_ =	strace $0x8FFFFFFF  }
0x98: {  	s19 =	sld [smem:$0x3FDB];
	_ =	sdelay $0x1  }
0x99: {  	s4 =	simm.s32 $_scs_section_size  }
0x9a: {  	s5 =	simm.s32 $_size__tile_overlayer_lowered;
	s6 =	simm.s32 $_tile_overlayer_lowered  }
0x9b: {  	s22 =	simm.s32 $0x1BFF;
	s21 =	sshll.u32 s6, $0x1;
	s3 =	sadd.s32 s4, s19  }
0x9c: {  	s7 =	simm.s32 $0x0;
	s20 =	sshll.u32 s5, $0x1;
	s5 =	sadd.s32 s21, s3  }
0x9d: {  	[timem:s7], [sflag:s22] =	dma.local [hbm:s5], s20  }
0x9e: {  	_ =	swait.ge [sflag:s22], s20  }
0x9f: {  	s4 =	ssub.s32 $0x0, s20;
	[sflag:s22] =	ssyncset.done $0x0  }
0xa0: {  	[sflag:s22] =	ssyncadd.s32 s4;
	_ =	sdelay $0x1  }
0xa1: {  	s23 =	simm.s32 $0x1B8B  }
0xa2: {  	_ =	swait.ge [sflag:s23], $0x1  }
0xa3: {  	[sflag:s23] =	ssyncset.done $0x0  }
0xa4: {  	s25 =	simm.s32 $0x1B8E;
	s24 =	sld [smem:$0x3FFE];
	[sflag:s23] =	ssyncadd.s32 $0xFFFFFFFF  }
0xa5: {  	s26 =	simm.s32 $execute0_lowered;
	[smem:$0x3FD2] =	sst s25  }
0xa6: {  	s5 =	sshll.u32 s26, $0x1;
	_ =	strace $0x80000049;
	[dreg:$0x1] =	wrdreg $0xFFFFFFFF  }
0xa7: {  	s28 =	simm.s32 $_size_execute0_lowered;
	s3 =	sadd.s32 s3, s5;
	[dreg:$0x0] =	wrdreg $0x0  }
0xa8: {  	s5 =	sshll.u32 s28, $0x1;
	[dreg:$0x2] =	wrdreg s3  }
0xa9: {  	[dreg:$0x3] =	wrdreg s5  }
0xaa: {  	[dreg:$0x4] =	wrdreg $0xC0  }
0xab: {  	_ =	task [dreg:s7], $0x5FFFF  }
0xac: {  	[dreg:$0x1] =	wrdreg $0xFFFFFFFF  }
0xad: {  	[dreg:$0x0] =	wrdreg $0x60  }
0xae: {  	[dreg:$0x2] =	wrdreg s24  }
0xaf: {  	[dreg:$0x3] =	wrdreg s2  }
0xb0: {  	[dreg:$0x4] =	wrdreg $0x9  }
0xb1: {  	_ =	task.clear_ibuf [dreg:s7], $0x5FFFF;
	_ =	strace $0x90000049  }
0xb2: {  	s29 =	simm.s32 $0x9;
	_ =	strace $0x8000004B  }
0xb3: {  	_ =	swait.ge [sflag:s29], $0x1  }
0xb4: {  	[sflag:s29] =	ssyncadd.s32 $0xFFFFFFFF  }
0xb5: {  	_ =	strace $0x9000004B  }
0xb6: {  	_ =	sfence  }
0xb7: {  	s30 =	sld [smem:$0x0];
	_ =	sdelay $0x2  }
0xb8: {  	s31 =	sshll.u32 s1, $0xD;
	s1 =	sshrl.u32 s1, $0x2  }
0xb9: {  	s3 =	sand.u32 $0x4000, s31;
	s1 =	sadd.s32 s1, s30  }
0xba: {  	s0 =	sor.u32 s3, s0;
	s1 =	sshll.u32 s1, $0x11  }
0xbb: {  	s0 =	sor.u32 s1, s0  }
0xbc: {  	s0 =	sadd.s32 $0x8F2B, s0  }
0xbd: {  	[sflag:s0] =	ssyncadd.remote.s32 $0x1  }
0xbe: {  	_ =	sfence.sel $0xFFFF  }
0xbf: {  	[dreg:$0x0] =	wrdreg $0xFFFFFFFF;
	(pc) =	sbr.abs _section_cstart, $3  }
0xc0: {  	[dreg:$0x1] =	wrdreg $0xFFFFFFFF  }
0xc1: {  	_ =	task.clear_ibuf [dreg:s7], $0x2FFFF;
	_ =	strace $0x9FFFFFFF  }
0xc2: {  	(tm) =	ssettm $0x7FFFFFFF  }
0xc3: {  	_ =	shalt  }
tec
execute0_lowered:
.L_overlay_start_1:
0x0: {  	(tag) =	ssettag $0x1  }
0x1: {  	s1 =	srdreg.scid;
	s5 =	rddreg [dreg:$0x0]  }
0x2: {  	s0 =	stileid.u32;
	s2 =	rddreg [dreg:$0x1];
	s6 =	simm.s32 $0x1  }
0x3: {  	s9 =	simm.s32 $0x1;
	s10 =	simm.s32 $0x3;
	s1 =	sshll.u32 s1, $0x6  }
0x4: {  	s13 =	simm.s32 $0x0;
	s3 =	sshll.u32 s0, $0x7;
	s4 =	sand.u32 $0x40, s1  }
0x5: {  	s12 =	simm.s32 $0x0;
	s1 =	rddreg [dreg:$0x2];
	s3 =	sor.u32 s3, s4  }
0x6: {  	_ =	strace $0x8000004A;
	s4 =	sadd.s32 $0xE00, s5;
	s8 =	ssub.s32 $0x1000, s3  }
.Ltmp0:
0x7: {  	s5 =	sadd.s32 $0xA00, s5;
	s7 =	sand.u32 $0x7C0, s8;
	(pc) =	sbr.rel .LBB2_1-.Ltmp0, $4  }
0x8: {  	[sflag:s6] =	ssyncpa.u1 $0x0;
	s11 =	smov.u32 s3;
	p0 =	sne.s32 s7, $0x0  }
0x9: {  	s8 =	sshrl.u32 s8, $0xB;
	s7 =	simm.s32 $0x2;
	s9 =	simm.s32 @!p0 $0x0  }
0xa: {  	[sflag:s7] =	ssyncpa.u1 $0x0;
	p0 =	por $0x0, $0x0;
	s8 =	sadd.s32 s9, s8  }
0xb: {  	vm0 =	vmmov $0xffff;
	[sflag:s10] =	ssyncpa.u1 $0x0;
	s10 =	simm.s32 $0x0;
	s9 =	sadd.s32 $0x1, s8  }
.LBB2_4:
0xc: {  	v2 =	vnsel vm1, $0x0, v2  }
0xd: {  	vm1 =	vgt.s32 v0, $0x0;
	v2 =	vmin.u32 v2, $0x87F  }
0xe: {  	v0 =	vnsel vm1, $0x0, v0  }
0xf: {  	v0 =	vmin.u32 v0, $0x87F  }
0x10: {  	[tilespmem:s15], [sflag:$0x1] =	stream.indirect_vreg.gather [hbm4b:s4+s10], $0x1, v1, vm0, $0x4038;
	[tilespmem:$0x100] =	vst v63  }
0x11: {  	(ifvalue) =	ssetifvalue $0x7FFFFFFF  }
0x12: {  	[tilespmem:s16], [sflag:$0x1] =	stream.indirect_vreg.gather [hbm4b:s4+s10], $0x1, v2, vm0, $0x4038;
	[tilespmem:$0x100] =	vst v63  }
0x13: {  	s29 =	sadd.s32 $0x10, s16;
	(ifvalue) =	ssetifvalue $0x7FFFFFFF  }
0x14: {  	[tilespmem:s29], [sflag:$0x1] =	stream.indirect_vreg.gather [hbm4b:s4+s10], $0x1, v0, vm0, $0x4038;
	[tilespmem:$0x100] =	vst v63  }
0x15: {  	_ =	swait.ge [sflag:s6], $0x40  }
0x16: {  	s30 =	sshrl.u32 s13, $0x3;
	[sflag:s6] =	ssyncset.done $0x0  }
0x17: {  	s31 =	sand.u32 $0x7, s13;
	s15 =	sadd.s32 s5, s30;
	[sflag:s6] =	ssyncadd.s32 $0xFFFFFFC0  }
0x18: {  	[hbm4b:s15+s31] =	stream.linear.scatter [tilespmem:s14], [sflag:$0x3], $0x40, $0x38;
	[tilespmem:$0x100] =	vst v63  }
.LBB2_5:
0x19: {  	s15 =	sadd.s32 $0x800, s11  }
0x1a: {  	p2 =	sgt.s32 s15, $0xFFF  }
0x1b: {  	s15 =	smov.u32 @p2 s3;
	p2 =	sne.s32 s12, s9  }
.Ltmp1:
0x1c: {  	p1 =	slt.u32 s12, $0x2;
	(pc) =	sbr.rel @!p2 .LBB2_6-.Ltmp1, $4  }
0x1d: {  	s14 =	simm.s32 @!p1 $0x3  }
0x1e: {  	s16 =	sadd.s32 $0x1, s12;
	_ =	swait.ge @!p1 [sflag:s14], $0x40  }
0x1f: {  	s13 =	smov.u32 s11;
	p0 =	por !p0, !p0;
	[sflag:s14] =	ssyncset.done @!p1 $0x0  }
0x20: {  	s12 =	smov.u32 s16;
	s11 =	smov.u32 s15;
	[sflag:s14] =	ssyncadd.s32 @!p1 $0xFFFFFFC0  }
.LBB2_1:
0x21: {  	p1 =	sge.u32 s12, s8  }
0x22: {  	s14 =	sxor.u32 @!p1 $0xFFFFFFFF, s12  }
0x23: {  	s31 =	sadd.s32 $0xFFFFFFFF, s12;
	s15 =	sshrl.u32 @!p1 s11, $0x3;
	s14 =	sshll.u32 @!p1 s14, $0x6  }
0x24: {  	s16 =	sand.u32 @!p1 $0x7, s11;
	s15 =	sadd.s32 @!p1 s2, s15;
	s14 =	sand.u32 @!p1 $0x40, s14  }
0x25: {  	[tilespmem:s14], [sflag:$0x2] =	stream.linear.gather @!p1 [hbm4b:s15+s16], $0x40, $0x38;
	[tilespmem:$0x100] =	vst v63  }
0x26: {  	p1 =	sge.u32 s31, s8  }
.Ltmp2:
0x27: {  	_ = 	snop;
	(pc) =	sbr.rel @p1 .LBB2_5-.Ltmp2, $1  }
0x28: {  	_ =	sdelay $0x3  }
0x29: {  	s14 =	simm.s32 $0x1  }
0x2a: {  	_ =	swait.ge [sflag:s7], $0x40;
	s14 =	simm.s32 @!p0 $0x0  }
0x2b: {  	[sflag:s7] =	ssyncset.done $0x0;
	s14 =	sshll.u32 s14, $0x6  }
0x2c: {  	[sflag:s7] =	ssyncadd.s32 $0xFFFFFFC0;
	(ifvalue) =	ssetifvalue $0x7FFFFFFF;
	v0 =	vld.msk [tilespmem:s14+$0x0 ss:$0x1], $0xffff;
	_ =	sdelay $0x4  }
0x2d: {  	s15 =	sadd.s32 $0x10, s14;
	vm1 =	vgt.s32 v0, $0x0  }
0x2e: {  	v2 =	vld.msk [tilespmem:s15+$0x0 ss:$0x1], $0xffff;
	v1 =	vnsel vm1, $0x0, v0  }
0x2f: {  	v1 =	vmin.u32 v1, $0x87F;
	_ =	sdelay $0x1  }
0x30: {  	s16 =	sshll.u32 s12, $0x6;
	s18 =	simm.s32 $0x20  }
0x31: {  	s16 =	sand.u32 $0x40, s16;
	s17 =	sadd.s32 $0x10, s15;
	s15 =	sor.u32 $0x80, s14  }
0x32: {  	s14 =	sor.u32 $0x80, s16;
	s16 =	sadd.s32 $0x10, s15;
	v0 =	vld.msk [tilespmem:s17+$0x0 ss:$0x1], $0xffff;
	vm1 =	vgt.s32 v2, $0x0;
	(ifvalue) =	ssetifvalue $0x7FFFFFFF  }
.LBB2_3:
0x33: {  	[tilespmem:s15], [sflag:$0x1] =	stream.indirect_vreg.gather [hbm4b:s4+s10], $0x1, v1, vm0, $0x4038;
	[tilespmem:$0x100] =	vst v63  }
0x34: {  	s18 =	sadd.s32 $0x10, s18  }
0x35: {  	v2 =	vnsel vm1, $0x0, v2;
	p1 =	slt.u32 s18, $0x30  }
.Ltmp3:
0x36: {  	s15 =	smov.u32 s16;
	v1 =	vmin.u32 v2, $0x87F;
	(pc) =	sbr.rel @p1 .LBB2_3-.Ltmp3, $3  }
0x37: {  	_ =	sdelay $0x1  }
0x38: {  	s17 =	sadd.s32 $0x10, s17  }
0x39: {  	vm1 =	vgt.s32 v0, $0x0;
	s16 =	sadd.s32 $0x10, s16;
	v2 =	vmov v0;
	(ifvalue) =	ssetifvalue $0x7FFFFFFF;
	v0 =	vld.msk [tilespmem:s17+$0x0 ss:$0x1], $0xffff  }
.Ltmp4:
0x3a: {  	_ = 	snop;
	(pc) =	sbr.rel .LBB2_4-.Ltmp4, $1  }
0x3b: {  	_ =	sdelay $0x3  }
.LBB2_6:
0x3c: {  	_ =	sfence.sel $0x180000  }
0x3d: {  	s2 =	simm.s32 $0x2;
	[bflag:$0x0] =	sbarrier.arrive $0xFFFF  }
0x3e: {  	s30 =	simm.s32 $0x3;
	[sflag:s2] =	ssyncpa.u1 $0x1  }
0x3f: {  	s31 =	simm.s32 $0x1;
	[sflag:s30] =	ssyncpa.u1 $0x1  }
0x40: {  	[sflag:s31] =	ssyncpa.u1 $0x1  }
0x41: {  	p0 =	sne.s32 s0, $0x0;
	_ =	strace $0x9000004A  }
0x42: {  	s0 =	sadd.s32 @!p0 $0x100000, s1;
	[bflag:$0x2] =	sbarrier.arrive $0xFFFF  }
0x43: {  	[sflag:s0] =	ssyncadd.tile.s32 @!p0 $0x1;
	_ =	shalt  }
.Lfunc_end2:
_tile_overlayer_lowered:
.L_overlay_start_2:
0x44: {  	(tag) =	ssettag $0x2  }
0x45: {  	s0 =	rddreg [dreg:$0x0];
	s2 =	stileid.u32  }
0x46: {  	s1 =	rddreg [dreg:$0x1];
	p0 =	sne.s32 s2, $0x0  }
0x47: {  	s3 =	rddreg [dreg:$0x2];
	[bflag:$0x3] =	sbarrier.arrive $0xFFFF;
	s2 =	simm.s32 @!p0 $0x1C01  }
0x48: {  	[timem:s3], [sflag:s2] =	dma.local @!p0 [hbm:s0], s1  }
0x49: {  	s0 =	simm.s32 @!p0 $0x1  }
0x4a: {  	_ =	swait.ge @!p0 [sflag:s0], s1  }
0x4b: {  	s1 =	ssub.s32 @!p0 $0x0, s1;
	[sflag:s0] =	ssyncset.done @!p0 $0x0  }
0x4c: {  	[sflag:s0] =	ssyncadd.s32 @!p0 s1  }
0x4d: {  	[bflag:$0x3] =	sbarrier.arrive $0xFFFF  }
0x4e: {  	_ =	shalt  }

</sc_bundles>
